<compile_context>
chip_gen: v7x
topology: tpu7x:2x2x1
jax: 0.10.2.dev20260603
libtpu: 0.0.44.dev20260713+nightly
codegen_flags: <defaults>
</compile_context>

<pallas_src>
import jax
import jax.numpy as jnp
from jax import lax
from jax.experimental import pallas as pl
from jax.experimental.pallas import tpu as pltpu
from jax.experimental.pallas import tpu_sc as plsc

NC = 2
NS = 16
L = 16

ROWS = 4096
COLS = 128
CPC = COLS // NC
RPT = ROWS // NS
NJ = CPC // L


NCH = 2
CR = RPT // NCH


def _body(y_hbm, out_hbm, blk_v, masks_v, tbl_v, allpart_v, part_sh, sems):
    c = lax.axis_index("c")
    s = lax.axis_index("s")
    row0 = s * RPT
    col0 = c * CPC

    in_copies = []
    for ch in range(NCH):
        in_copies.append(
            pltpu.async_copy(
                y_hbm.at[pl.ds(row0 + ch * CR, CR), pl.ds(col0, CPC)],
                blk_v.at[pl.ds(ch * CR, CR), :],
                sems.at[ch],
            )
        )

    iota = lax.iota(jnp.int32, L)
    one = jnp.ones((L,), jnp.int32)

    accs = tuple(jnp.zeros((L,), jnp.int32) for _ in range(NJ))
    for ch in range(NCH):
        in_copies[ch].wait()

        @plsc.parallel_loop(ch * CR, (ch + 1) * CR, unroll=2, carry=accs)
        def accs_(r, accs):
            out = []
            for j in range(NJ):
                v = blk_v[r, pl.ds(j * L, L)].astype(jnp.int32)
                out.append(accs[j] | jnp.left_shift(one, v))
            return tuple(out)

        accs = accs_
    for j in range(NJ):
        masks_v[pl.ds(j * L, L)] = accs[j]

    pltpu.sync_copy(masks_v, part_sh.at[s])
    plsc.subcore_barrier()
    pltpu.sync_copy(part_sh, allpart_v)
    for j in range(NJ):
        acc = allpart_v[0, pl.ds(j * L, L)]
        for t in range(1, NS):
            acc = acc | allpart_v[t, pl.ds(j * L, L)]
        masks_v[pl.ds(j * L, L)] = acc

    @plsc.parallel_loop(0, CPC, unroll=4)
    def _(col):
        m = plsc.load_gather(masks_v, [jnp.full((L,), col, jnp.int32)])
        bits = jnp.right_shift(m, iota) & 1
        excl = plsc.cumsum(bits) - bits
        tbl_v[col, :] = excl.astype(jnp.float32)

    colv = [iota + j * L for j in range(NJ)]

    out_copies = []
    for ch in range(NCH):

        @plsc.parallel_loop(ch * CR, (ch + 1) * CR, unroll=2)
        def _(r):
            for j in range(NJ):
                vi = blk_v[r, pl.ds(j * L, L)].astype(jnp.int32)
                blk_v[r, pl.ds(j * L, L)] = plsc.load_gather(tbl_v, [colv[j], vi])

        out_copies.append(
            pltpu.async_copy(
                blk_v.at[pl.ds(ch * CR, CR), :],
                out_hbm.at[pl.ds(row0 + ch * CR, CR), pl.ds(col0, CPC)],
                sems.at[ch],
            )
        )
    for cp in out_copies:
        cp.wait()


@jax.jit
def kernel(y):
    y2 = y.reshape(ROWS, COLS)
    out = pl.kernel(
        _body,
        out_type=jax.ShapeDtypeStruct((ROWS, COLS), jnp.float32),
        mesh=plsc.VectorSubcoreMesh(
            core_axis_name="c", subcore_axis_name="s", num_cores=NC, num_subcores=NS
        ),
        scratch_types=[
            pltpu.VMEM((RPT, CPC), jnp.float32),
            pltpu.VMEM((CPC,), jnp.int32),
            pltpu.VMEM((CPC, L), jnp.float32),
            pltpu.VMEM((NS, CPC), jnp.int32),
            pltpu.VMEM_SHARED((NS, CPC), jnp.int32),
            pltpu.SemaphoreType.DMA((NCH,)),
        ],
        compiler_params=pltpu.CompilerParams(
            use_tc_tiling_on_sc=False, needs_layout_passes=False
        ),
    )(y2)
    return out.reshape(ROWS, COLS, 1)

# --- scband reference (transcript-rebuilt; emitter-appended) ---
"""Pipeline reference for scband-multiclass-classification-target-encoder-14181982012143 (READ-ONLY COPY).

The authoritative reference and input builder live on the scoring server;
editing this copy changes nothing except your own understanding.
"""

import jax, jax.numpy as jnp
import numpy as np


def setup_inputs(seed: int = 0) -> dict:
    key = jax.random.key(seed)
    # class labels stored as floats, as in the torch module (y is a float target tensor of integer class ids)
    y = jax.random.randint(key, (4096, 128, 1), 0, 10).astype(jnp.float32)
    return {"y": y}


def _flatten_targets(yb, u):
    # torch: (y.unsqueeze(-1) > torch.unique(y)).sum(axis=-1)
    return (yb[..., None] > u).sum(axis=-1)


def reference(y):
    # Faithful translation of MulticlassClassificationTargetEncoder._forward:
    # y_new = y.clone(); for B in range(y.shape[1]): y_new[:, B, :] = flatten_targets(y[:, B, :])
    cols = []
    for b in range(y.shape[1]):
        yb = y[:, b, :]
        u = jnp.unique(yb, size=yb.size, fill_value=jnp.inf)
        # assignment into a float tensor in torch casts the int counts back to float
        cols.append(_flatten_targets(yb, u).astype(y.dtype))
    y_new = jnp.stack(cols, axis=1)
    return y_new

if __name__ == "__main__":
    import jax
    _d = setup_inputs()
    print(jax.jit(kernel)(*tuple(_d.values())))

</pallas_src>

<mosaic_0001>
#map = affine_map<(d0, d1) -> (0, 0)>
module attributes {stable_mosaic.version = 14 : i64} {
  func.func @_body(%arg0: i32, %arg1: i32, %arg2: memref<4096x128xf32, #tpu.memory_space<hbm>>, %arg3: memref<4096x128xf32, #tpu.memory_space<hbm>>, %arg4: memref<256x64xf32, #tpu.memory_space<vmem>>, %arg5: memref<64xi32, #tpu.memory_space<vmem>>, %arg6: memref<64x16xf32, #tpu.memory_space<vmem>>, %arg7: memref<16x64xi32, #tpu.memory_space<vmem>>, %arg8: memref<16x64xi32, #tpu.memory_space<vmem_shared>>, %arg9: memref<2x!tpu.dma_semaphore, #tpu.memory_space<semaphore_mem>>) attributes {dimension_semantics = [#tpu.dimension_semantics<core_parallel>, #tpu.dimension_semantics<subcore_parallel>], iteration_bounds = array<i64: 2, 16>, scalar_prefetch = 0 : i64, scratch_operands = 6 : i64, tpu.core_type = #tpu.core_type<sc_vector_subcore>, window_params = [{transform_indices = #map}, {transform_indices = #map}]} {
    %mul3A = arith.constant 256 : i32
    %mul3A_0 = arith.muli %arg1, %mul3A : i32
    %mul3A_1 = arith.constant 64 : i32
    %mul3A_2 = arith.muli %arg0, %mul3A_1 : i32
    %add3A = arith.constant 0 : i32
    %add3A_3 = arith.addi %mul3A_0, %add3A : i32
    %dma_start3A = arith.constant 0 : i32
    %dma_start3A_4 = arith.constant 0 : i32
    %dma_start3A_5 = arith.constant 0 : i32
    %dma_start3A_6 = tpu.memref_slice %arg4[%dma_start3A_4, %dma_start3A_5] : memref<256x64xf32, #tpu.memory_space<vmem>> -> memref<128x64xf32, #tpu.memory_space<vmem>>
    %dma_start3A_7 = tpu.memref_slice %arg2[%add3A_3, %mul3A_2] : memref<4096x128xf32, #tpu.memory_space<hbm>> -> memref<128x64xf32, #tpu.memory_space<hbm>>
    %dma_start3A_8 = tpu.memref_slice %arg9[%dma_start3A] : memref<2x!tpu.dma_semaphore, #tpu.memory_space<semaphore_mem>> -> memref<1x!tpu.dma_semaphore, #tpu.memory_space<semaphore_mem>>
    %dma_start3A_9 = tpu.memref_squeeze %dma_start3A_8 : memref<1x!tpu.dma_semaphore, #tpu.memory_space<semaphore_mem>> -> memref<!tpu.dma_semaphore, #tpu.memory_space<semaphore_mem>>
    %dma_start3A_10 = arith.constant 0 : i32
    %dma_start3A_11 = arith.constant 0 : i32
    %dma_start3A_12 = tpu.memref_slice %arg4[%dma_start3A_10, %dma_start3A_11] : memref<256x64xf32, #tpu.memory_space<vmem>> -> memref<128x64xf32, #tpu.memory_space<vmem>>
    %dma_start3A_13 = tpu.memref_slice %arg2[%add3A_3, %mul3A_2] : memref<4096x128xf32, #tpu.memory_space<hbm>> -> memref<128x64xf32, #tpu.memory_space<hbm>>
    tpu.enqueue_dma source(%dma_start3A_13 : memref<128x64xf32, #tpu.memory_space<hbm>>) target(%dma_start3A_12 : memref<128x64xf32, #tpu.memory_space<vmem>>) target_semaphore(%dma_start3A_9 : memref<!tpu.dma_semaphore, #tpu.memory_space<semaphore_mem>>)
    %add3A_14 = arith.constant 128 : i32
    %add3A_15 = arith.addi %mul3A_0, %add3A_14 : i32
    %dma_start3A_16 = arith.constant 1 : i32
    %dma_start3A_17 = arith.constant 128 : i32
    %dma_start3A_18 = arith.constant 0 : i32
    %dma_start3A_19 = tpu.memref_slice %arg4[%dma_start3A_17, %dma_start3A_18] : memref<256x64xf32, #tpu.memory_space<vmem>> -> memref<128x64xf32, #tpu.memory_space<vmem>>
    %dma_start3A_20 = tpu.memref_slice %arg2[%add3A_15, %mul3A_2] : memref<4096x128xf32, #tpu.memory_space<hbm>> -> memref<128x64xf32, #tpu.memory_space<hbm>>
    %dma_start3A_21 = tpu.memref_slice %arg9[%dma_start3A_16] : memref<2x!tpu.dma_semaphore, #tpu.memory_space<semaphore_mem>> -> memref<1x!tpu.dma_semaphore, #tpu.memory_space<semaphore_mem>>
    %dma_start3A_22 = tpu.memref_squeeze %dma_start3A_21 : memref<1x!tpu.dma_semaphore, #tpu.memory_space<semaphore_mem>> -> memref<!tpu.dma_semaphore, #tpu.memory_space<semaphore_mem>>
    %dma_start3A_23 = arith.constant 128 : i32
    %dma_start3A_24 = arith.constant 0 : i32
    %dma_start3A_25 = tpu.memref_slice %arg4[%dma_start3A_23, %dma_start3A_24] : memref<256x64xf32, #tpu.memory_space<vmem>> -> memref<128x64xf32, #tpu.memory_space<vmem>>
    %dma_start3A_26 = tpu.memref_slice %arg2[%add3A_15, %mul3A_2] : memref<4096x128xf32, #tpu.memory_space<hbm>> -> memref<128x64xf32, #tpu.memory_space<hbm>>
    tpu.enqueue_dma source(%dma_start3A_26 : memref<128x64xf32, #tpu.memory_space<hbm>>) target(%dma_start3A_25 : memref<128x64xf32, #tpu.memory_space<vmem>>) target_semaphore(%dma_start3A_22 : memref<!tpu.dma_semaphore, #tpu.memory_space<semaphore_mem>>)
    %iota3A = tpu.iota {dimensions = array<i32: 0>} : vector<16xi32>
    %broadcast_in_dim3A = arith.constant 1 : i32
    %broadcast_in_dim3A_27 = vector.broadcast %broadcast_in_dim3A : i32 to vector<16xi32>
    %broadcast_in_dim3A_28 = arith.constant 0 : i32
    %broadcast_in_dim3A_29 = vector.broadcast %broadcast_in_dim3A_28 : i32 to vector<16xi32>
    %broadcast_in_dim3A_30 = arith.constant 0 : i32
    %broadcast_in_dim3A_31 = vector.broadcast %broadcast_in_dim3A_30 : i32 to vector<16xi32>
    %broadcast_in_dim3A_32 = arith.constant 0 : i32
    %broadcast_in_dim3A_33 = vector.broadcast %broadcast_in_dim3A_32 : i32 to vector<16xi32>
    %broadcast_in_dim3A_34 = arith.constant 0 : i32
    %broadcast_in_dim3A_35 = vector.broadcast %broadcast_in_dim3A_34 : i32 to vector<16xi32>
    %dma_wait3A = arith.constant 0 : i32
    %dma_wait3A_36 = arith.constant 0 : i32
    %dma_wait3A_37 = arith.constant 0 : i32
    %dma_wait3A_38 = tpu.memref_slice %arg4[%dma_wait3A_36, %dma_wait3A_37] : memref<256x64xf32, #tpu.memory_space<vmem>> -> memref<128x64xf32, #tpu.memory_space<vmem>>
    %dma_wait3A_39 = tpu.memref_slice %arg2[%add3A_3, %mul3A_2] : memref<4096x128xf32, #tpu.memory_space<hbm>> -> memref<128x64xf32, #tpu.memory_space<hbm>>
    %dma_wait3A_40 = tpu.memref_slice %arg9[%dma_wait3A] : memref<2x!tpu.dma_semaphore, #tpu.memory_space<semaphore_mem>> -> memref<1x!tpu.dma_semaphore, #tpu.memory_space<semaphore_mem>>
    %dma_wait3A_41 = tpu.memref_squeeze %dma_wait3A_40 : memref<1x!tpu.dma_semaphore, #tpu.memory_space<semaphore_mem>> -> memref<!tpu.dma_semaphore, #tpu.memory_space<semaphore_mem>>
    %dma_wait3A_42 = arith.constant 0 : i32
    %dma_wait3A_43 = arith.constant 0 : i32
    %dma_wait3A_44 = tpu.memref_slice %arg4[%dma_wait3A_42, %dma_wait3A_43] : memref<256x64xf32, #tpu.memory_space<vmem>> -> memref<128x64xf32, #tpu.memory_space<vmem>>
    %dma_wait3A_45 = tpu.memref_slice %arg2[%add3A_3, %mul3A_2] : memref<4096x128xf32, #tpu.memory_space<hbm>> -> memref<128x64xf32, #tpu.memory_space<hbm>>
    tpu.wait_dma2 semaphore(%dma_wait3A_41 : memref<!tpu.dma_semaphore, #tpu.memory_space<semaphore_mem>>) src(%dma_wait3A_45 : memref<128x64xf32, #tpu.memory_space<hbm>>) dst(%dma_wait3A_44 : memref<128x64xf32, #tpu.memory_space<vmem>>)
    %parallel_loop3A = arith.constant 0 : i32
    %parallel_loop3A_46 = arith.constant 128 : i32
    %parallel_loop3A_47 = arith.constant 1 : i32
    %parallel_loop3A_48:4 = scf.for %parallel_loop3A_462 = %parallel_loop3A to %parallel_loop3A_46 step %parallel_loop3A_47 iter_args(%parallel_loop3A_463 = %broadcast_in_dim3A_29, %parallel_loop3A_464 = %broadcast_in_dim3A_31, %parallel_loop3A_465 = %broadcast_in_dim3A_33, %parallel_loop3A_466 = %broadcast_in_dim3A_35) -> (vector<16xi32>, vector<16xi32>, vector<16xi32>, vector<16xi32>)  : i32 {
      %parallel_loop3A_467 = arith.index_cast %parallel_loop3A_462 : i32 to index
      %parallel_loop3A_468 = arith.constant 0 : index
      %parallel_loop3A_469 = tpu.vector_load %arg4[%parallel_loop3A_467, %parallel_loop3A_468] {strides = array<i32>} : memref<256x64xf32, #tpu.memory_space<vmem>>, vector<16xf32>,
      %parallel_loop3A_470 = arith.fptosi %parallel_loop3A_469 : vector<16xf32> to vector<16xi32>
      %parallel_loop3A_471 = arith.shli %broadcast_in_dim3A_27, %parallel_loop3A_470 : vector<16xi32>
      %parallel_loop3A_472 = arith.ori %parallel_loop3A_463, %parallel_loop3A_471 : vector<16xi32>
      %parallel_loop3A_473 = arith.index_cast %parallel_loop3A_462 : i32 to index
      %parallel_loop3A_474 = arith.constant 16 : index
      %parallel_loop3A_475 = tpu.vector_load %arg4[%parallel_loop3A_473, %parallel_loop3A_474] {strides = array<i32>} : memref<256x64xf32, #tpu.memory_space<vmem>>, vector<16xf32>,
      %parallel_loop3A_476 = arith.fptosi %parallel_loop3A_475 : vector<16xf32> to vector<16xi32>
      %parallel_loop3A_477 = arith.shli %broadcast_in_dim3A_27, %parallel_loop3A_476 : vector<16xi32>
      %parallel_loop3A_478 = arith.ori %parallel_loop3A_464, %parallel_loop3A_477 : vector<16xi32>
      %parallel_loop3A_479 = arith.index_cast %parallel_loop3A_462 : i32 to index
      %parallel_loop3A_480 = arith.constant 32 : index
      %parallel_loop3A_481 = tpu.vector_load %arg4[%parallel_loop3A_479, %parallel_loop3A_480] {strides = array<i32>} : memref<256x64xf32, #tpu.memory_space<vmem>>, vector<16xf32>,
      %parallel_loop3A_482 = arith.fptosi %parallel_loop3A_481 : vector<16xf32> to vector<16xi32>
      %parallel_loop3A_483 = arith.shli %broadcast_in_dim3A_27, %parallel_loop3A_482 : vector<16xi32>
      %parallel_loop3A_484 = arith.ori %parallel_loop3A_465, %parallel_loop3A_483 : vector<16xi32>
      %parallel_loop3A_485 = arith.index_cast %parallel_loop3A_462 : i32 to index
      %parallel_loop3A_486 = arith.constant 48 : index
      %parallel_loop3A_487 = tpu.vector_load %arg4[%parallel_loop3A_485, %parallel_loop3A_486] {strides = array<i32>} : memref<256x64xf32, #tpu.memory_space<vmem>>, vector<16xf32>,
      %parallel_loop3A_488 = arith.fptosi %parallel_loop3A_487 : vector<16xf32> to vector<16xi32>
      %parallel_loop3A_489 = arith.shli %broadcast_in_dim3A_27, %parallel_loop3A_488 : vector<16xi32>
      %parallel_loop3A_490 = arith.ori %parallel_loop3A_466, %parallel_loop3A_489 : vector<16xi32>
      scf.yield %parallel_loop3A_472, %parallel_loop3A_478, %parallel_loop3A_484, %parallel_loop3A_490 : vector<16xi32>, vector<16xi32>, vector<16xi32>, vector<16xi32>
    } {sc.loop_unroll_factor = 2 : i64, sc.parallel_access}
    %dma_wait3A_49 = arith.constant 1 : i32
    %dma_wait3A_50 = arith.constant 128 : i32
    %dma_wait3A_51 = arith.constant 0 : i32
    %dma_wait3A_52 = tpu.memref_slice %arg4[%dma_wait3A_50, %dma_wait3A_51] : memref<256x64xf32, #tpu.memory_space<vmem>> -> memref<128x64xf32, #tpu.memory_space<vmem>>
    %dma_wait3A_53 = tpu.memref_slice %arg2[%add3A_15, %mul3A_2] : memref<4096x128xf32, #tpu.memory_space<hbm>> -> memref<128x64xf32, #tpu.memory_space<hbm>>
    %dma_wait3A_54 = tpu.memref_slice %arg9[%dma_wait3A_49] : memref<2x!tpu.dma_semaphore, #tpu.memory_space<semaphore_mem>> -> memref<1x!tpu.dma_semaphore, #tpu.memory_space<semaphore_mem>>
    %dma_wait3A_55 = tpu.memref_squeeze %dma_wait3A_54 : memref<1x!tpu.dma_semaphore, #tpu.memory_space<semaphore_mem>> -> memref<!tpu.dma_semaphore, #tpu.memory_space<semaphore_mem>>
    %dma_wait3A_56 = arith.constant 128 : i32
    %dma_wait3A_57 = arith.constant 0 : i32
    %dma_wait3A_58 = tpu.memref_slice %arg4[%dma_wait3A_56, %dma_wait3A_57] : memref<256x64xf32, #tpu.memory_space<vmem>> -> memref<128x64xf32, #tpu.memory_space<vmem>>
    %dma_wait3A_59 = tpu.memref_slice %arg2[%add3A_15, %mul3A_2] : memref<4096x128xf32, #tpu.memory_space<hbm>> -> memref<128x64xf32, #tpu.memory_space<hbm>>
    tpu.wait_dma2 semaphore(%dma_wait3A_55 : memref<!tpu.dma_semaphore, #tpu.memory_space<semaphore_mem>>) src(%dma_wait3A_59 : memref<128x64xf32, #tpu.memory_space<hbm>>) dst(%dma_wait3A_58 : memref<128x64xf32, #tpu.memory_space<vmem>>)
    %parallel_loop3A_60 = arith.constant 128 : i32
    %parallel_loop3A_61 = arith.constant 256 : i32
    %parallel_loop3A_62 = arith.constant 1 : i32
    %parallel_loop3A_63:4 = scf.for %parallel_loop3A_462 = %parallel_loop3A_60 to %parallel_loop3A_61 step %parallel_loop3A_62 iter_args(%parallel_loop3A_463 = %parallel_loop3A_48#0, %parallel_loop3A_464 = %parallel_loop3A_48#1, %parallel_loop3A_465 = %parallel_loop3A_48#2, %parallel_loop3A_466 = %parallel_loop3A_48#3) -> (vector<16xi32>, vector<16xi32>, vector<16xi32>, vector<16xi32>)  : i32 {
      %parallel_loop3A_467 = arith.index_cast %parallel_loop3A_462 : i32 to index
      %parallel_loop3A_468 = arith.constant 0 : index
      %parallel_loop3A_469 = tpu.vector_load %arg4[%parallel_loop3A_467, %parallel_loop3A_468] {strides = array<i32>} : memref<256x64xf32, #tpu.memory_space<vmem>>, vector<16xf32>,
      %parallel_loop3A_470 = arith.fptosi %parallel_loop3A_469 : vector<16xf32> to vector<16xi32>
      %parallel_loop3A_471 = arith.shli %broadcast_in_dim3A_27, %parallel_loop3A_470 : vector<16xi32>
      %parallel_loop3A_472 = arith.ori %parallel_loop3A_463, %parallel_loop3A_471 : vector<16xi32>
      %parallel_loop3A_473 = arith.index_cast %parallel_loop3A_462 : i32 to index
      %parallel_loop3A_474 = arith.constant 16 : index
      %parallel_loop3A_475 = tpu.vector_load %arg4[%parallel_loop3A_473, %parallel_loop3A_474] {strides = array<i32>} : memref<256x64xf32, #tpu.memory_space<vmem>>, vector<16xf32>,
      %parallel_loop3A_476 = arith.fptosi %parallel_loop3A_475 : vector<16xf32> to vector<16xi32>
      %parallel_loop3A_477 = arith.shli %broadcast_in_dim3A_27, %parallel_loop3A_476 : vector<16xi32>
      %parallel_loop3A_478 = arith.ori %parallel_loop3A_464, %parallel_loop3A_477 : vector<16xi32>
      %parallel_loop3A_479 = arith.index_cast %parallel_loop3A_462 : i32 to index
      %parallel_loop3A_480 = arith.constant 32 : index
      %parallel_loop3A_481 = tpu.vector_load %arg4[%parallel_loop3A_479, %parallel_loop3A_480] {strides = array<i32>} : memref<256x64xf32, #tpu.memory_space<vmem>>, vector<16xf32>,
      %parallel_loop3A_482 = arith.fptosi %parallel_loop3A_481 : vector<16xf32> to vector<16xi32>
      %parallel_loop3A_483 = arith.shli %broadcast_in_dim3A_27, %parallel_loop3A_482 : vector<16xi32>
      %parallel_loop3A_484 = arith.ori %parallel_loop3A_465, %parallel_loop3A_483 : vector<16xi32>
      %parallel_loop3A_485 = arith.index_cast %parallel_loop3A_462 : i32 to index
      %parallel_loop3A_486 = arith.constant 48 : index
      %parallel_loop3A_487 = tpu.vector_load %arg4[%parallel_loop3A_485, %parallel_loop3A_486] {strides = array<i32>} : memref<256x64xf32, #tpu.memory_space<vmem>>, vector<16xf32>,
      %parallel_loop3A_488 = arith.fptosi %parallel_loop3A_487 : vector<16xf32> to vector<16xi32>
      %parallel_loop3A_489 = arith.shli %broadcast_in_dim3A_27, %parallel_loop3A_488 : vector<16xi32>
      %parallel_loop3A_490 = arith.ori %parallel_loop3A_466, %parallel_loop3A_489 : vector<16xi32>
      scf.yield %parallel_loop3A_472, %parallel_loop3A_478, %parallel_loop3A_484, %parallel_loop3A_490 : vector<16xi32>, vector<16xi32>, vector<16xi32>, vector<16xi32>
    } {sc.loop_unroll_factor = 2 : i64, sc.parallel_access}
    %swap3A = arith.constant 0 : index
    %swap3A_64 = tpu.vector_load %arg5[%swap3A] {strides = array<i32>} : memref<64xi32, #tpu.memory_space<vmem>>, vector<16xi32>,
    tpu.vector_store %arg5[%swap3A], %parallel_loop3A_63#0 {strides = array<i32>} : memref<64xi32, #tpu.memory_space<vmem>>, vector<16xi32>,
    %swap3A_65 = arith.constant 16 : index
    %swap3A_66 = tpu.vector_load %arg5[%swap3A_65] {strides = array<i32>} : memref<64xi32, #tpu.memory_space<vmem>>, vector<16xi32>,
    tpu.vector_store %arg5[%swap3A_65], %parallel_loop3A_63#1 {strides = array<i32>} : memref<64xi32, #tpu.memory_space<vmem>>, vector<16xi32>,
    %swap3A_67 = arith.constant 32 : index
    %swap3A_68 = tpu.vector_load %arg5[%swap3A_67] {strides = array<i32>} : memref<64xi32, #tpu.memory_space<vmem>>, vector<16xi32>,
    tpu.vector_store %arg5[%swap3A_67], %parallel_loop3A_63#2 {strides = array<i32>} : memref<64xi32, #tpu.memory_space<vmem>>, vector<16xi32>,
    %swap3A_69 = arith.constant 48 : index
    %swap3A_70 = tpu.vector_load %arg5[%swap3A_69] {strides = array<i32>} : memref<64xi32, #tpu.memory_space<vmem>>, vector<16xi32>,
    tpu.vector_store %arg5[%swap3A_69], %parallel_loop3A_63#3 {strides = array<i32>} : memref<64xi32, #tpu.memory_space<vmem>>, vector<16xi32>,
    "tpu.region"() ({
      %run_scoped3A = tpu.sem_alloc : memref<!tpu.dma_semaphore, #tpu.memory_space<semaphore_mem>>
      %dma_start3A_462 = arith.constant 0 : i32
      %dma_start3A_463 = tpu.memref_slice %arg8[%arg1, %dma_start3A_462] : memref<16x64xi32, #tpu.memory_space<vmem_shared>> -> memref<1x64xi32, #tpu.memory_space<vmem_shared>>
      %dma_start3A_464 = tpu.memref_squeeze %dma_start3A_463 : memref<1x64xi32, #tpu.memory_space<vmem_shared>> -> memref<64xi32, #tpu.memory_space<vmem_shared>>
      %dma_start3A_465 = arith.constant 0 : i32
      %dma_start3A_466 = tpu.memref_slice %arg8[%arg1, %dma_start3A_465] : memref<16x64xi32, #tpu.memory_space<vmem_shared>> -> memref<1x64xi32, #tpu.memory_space<vmem_shared>>
      %dma_start3A_467 = tpu.memref_squeeze %dma_start3A_466 : memref<1x64xi32, #tpu.memory_space<vmem_shared>> -> memref<64xi32, #tpu.memory_space<vmem_shared>>
      tpu.enqueue_dma source(%arg5 : memref<64xi32, #tpu.memory_space<vmem>>) target(%dma_start3A_467 : memref<64xi32, #tpu.memory_space<vmem_shared>>) target_semaphore(%run_scoped3A : memref<!tpu.dma_semaphore, #tpu.memory_space<semaphore_mem>>)
      %dma_wait3A_468 = arith.constant 0 : i32
      %dma_wait3A_469 = tpu.memref_slice %arg8[%arg1, %dma_wait3A_468] : memref<16x64xi32, #tpu.memory_space<vmem_shared>> -> memref<1x64xi32, #tpu.memory_space<vmem_shared>>
      %dma_wait3A_470 = tpu.memref_squeeze %dma_wait3A_469 : memref<1x64xi32, #tpu.memory_space<vmem_shared>> -> memref<64xi32, #tpu.memory_space<vmem_shared>>
      %dma_wait3A_471 = arith.constant 0 : i32
      %dma_wait3A_472 = tpu.memref_slice %arg8[%arg1, %dma_wait3A_471] : memref<16x64xi32, #tpu.memory_space<vmem_shared>> -> memref<1x64xi32, #tpu.memory_space<vmem_shared>>
      %dma_wait3A_473 = tpu.memref_squeeze %dma_wait3A_472 : memref<1x64xi32, #tpu.memory_space<vmem_shared>> -> memref<64xi32, #tpu.memory_space<vmem_shared>>
      tpu.wait_dma2 semaphore(%run_scoped3A : memref<!tpu.dma_semaphore, #tpu.memory_space<semaphore_mem>>) src(%arg5 : memref<64xi32, #tpu.memory_space<vmem>>) dst(%dma_wait3A_473 : memref<64xi32, #tpu.memory_space<vmem_shared>>)
      tpu.yield
    }) : () -> ()
    %barrier3A = arith.constant 0 : index
    tpu.barrier barrier_id(%barrier3A)
    "tpu.region"() ({
      %run_scoped3A = tpu.sem_alloc : memref<!tpu.dma_semaphore, #tpu.memory_space<semaphore_mem>>
      tpu.enqueue_dma source(%arg8 : memref<16x64xi32, #tpu.memory_space<vmem_shared>>) target(%arg7 : memref<16x64xi32, #tpu.memory_space<vmem>>) target_semaphore(%run_scoped3A : memref<!tpu.dma_semaphore, #tpu.memory_space<semaphore_mem>>)
      tpu.wait_dma2 semaphore(%run_scoped3A : memref<!tpu.dma_semaphore, #tpu.memory_space<semaphore_mem>>) src(%arg8 : memref<16x64xi32, #tpu.memory_space<vmem_shared>>) dst(%arg7 : memref<16x64xi32, #tpu.memory_space<vmem>>)
      tpu.yield
    }) : () -> ()
    %get3A = arith.constant 0 : i32
    %get3A_71 = arith.index_cast %get3A : i32 to index
    %get3A_72 = arith.constant 0 : index
    %get3A_73 = tpu.vector_load %arg7[%get3A_71, %get3A_72] {strides = array<i32>} : memref<16x64xi32, #tpu.memory_space<vmem>>, vector<16xi32>,
    %get3A_74 = arith.constant 1 : i32
    %get3A_75 = arith.index_cast %get3A_74 : i32 to index
    %get3A_76 = arith.constant 0 : index
    %get3A_77 = tpu.vector_load %arg7[%get3A_75, %get3A_76] {strides = array<i32>} : memref<16x64xi32, #tpu.memory_space<vmem>>, vector<16xi32>,
    %or3A = arith.ori %get3A_73, %get3A_77 : vector<16xi32>
    %get3A_78 = arith.constant 2 : i32
    %get3A_79 = arith.index_cast %get3A_78 : i32 to index
    %get3A_80 = arith.constant 0 : index
    %get3A_81 = tpu.vector_load %arg7[%get3A_79, %get3A_80] {strides = array<i32>} : memref<16x64xi32, #tpu.memory_space<vmem>>, vector<16xi32>,
    %or3A_82 = arith.ori %or3A, %get3A_81 : vector<16xi32>
    %get3A_83 = arith.constant 3 : i32
    %get3A_84 = arith.index_cast %get3A_83 : i32 to index
    %get3A_85 = arith.constant 0 : index
    %get3A_86 = tpu.vector_load %arg7[%get3A_84, %get3A_85] {strides = array<i32>} : memref<16x64xi32, #tpu.memory_space<vmem>>, vector<16xi32>,
    %or3A_87 = arith.ori %or3A_82, %get3A_86 : vector<16xi32>
    %get3A_88 = arith.constant 4 : i32
    %get3A_89 = arith.index_cast %get3A_88 : i32 to index
    %get3A_90 = arith.constant 0 : index
    %get3A_91 = tpu.vector_load %arg7[%get3A_89, %get3A_90] {strides = array<i32>} : memref<16x64xi32, #tpu.memory_space<vmem>>, vector<16xi32>,
    %or3A_92 = arith.ori %or3A_87, %get3A_91 : vector<16xi32>
    %get3A_93 = arith.constant 5 : i32
    %get3A_94 = arith.index_cast %get3A_93 : i32 to index
    %get3A_95 = arith.constant 0 : index
    %get3A_96 = tpu.vector_load %arg7[%get3A_94, %get3A_95] {strides = array<i32>} : memref<16x64xi32, #tpu.memory_space<vmem>>, vector<16xi32>,
    %or3A_97 = arith.ori %or3A_92, %get3A_96 : vector<16xi32>
    %get3A_98 = arith.constant 6 : i32
    %get3A_99 = arith.index_cast %get3A_98 : i32 to index
    %get3A_100 = arith.constant 0 : index
    %get3A_101 = tpu.vector_load %arg7[%get3A_99, %get3A_100] {strides = array<i32>} : memref<16x64xi32, #tpu.memory_space<vmem>>, vector<16xi32>,
    %or3A_102 = arith.ori %or3A_97, %get3A_101 : vector<16xi32>
    %get3A_103 = arith.constant 7 : i32
    %get3A_104 = arith.index_cast %get3A_103 : i32 to index
    %get3A_105 = arith.constant 0 : index
    %get3A_106 = tpu.vector_load %arg7[%get3A_104, %get3A_105] {strides = array<i32>} : memref<16x64xi32, #tpu.memory_space<vmem>>, vector<16xi32>,
    %or3A_107 = arith.ori %or3A_102, %get3A_106 : vector<16xi32>
    %get3A_108 = arith.constant 8 : i32
    %get3A_109 = arith.index_cast %get3A_108 : i32 to index
    %get3A_110 = arith.constant 0 : index
    %get3A_111 = tpu.vector_load %arg7[%get3A_109, %get3A_110] {strides = array<i32>} : memref<16x64xi32, #tpu.memory_space<vmem>>, vector<16xi32>,
    %or3A_112 = arith.ori %or3A_107, %get3A_111 : vector<16xi32>
    %get3A_113 = arith.constant 9 : i32
    %get3A_114 = arith.index_cast %get3A_113 : i32 to index
    %get3A_115 = arith.constant 0 : index
    %get3A_116 = tpu.vector_load %arg7[%get3A_114, %get3A_115] {strides = array<i32>} : memref<16x64xi32, #tpu.memory_space<vmem>>, vector<16xi32>,
    %or3A_117 = arith.ori %or3A_112, %get3A_116 : vector<16xi32>
    %get3A_118 = arith.constant 10 : i32
    %get3A_119 = arith.index_cast %get3A_118 : i32 to index
    %get3A_120 = arith.constant 0 : index
    %get3A_121 = tpu.vector_load %arg7[%get3A_119, %get3A_120] {strides = array<i32>} : memref<16x64xi32, #tpu.memory_space<vmem>>, vector<16xi32>,
    %or3A_122 = arith.ori %or3A_117, %get3A_121 : vector<16xi32>
    %get3A_123 = arith.constant 11 : i32
    %get3A_124 = arith.index_cast %get3A_123 : i32 to index
    %get3A_125 = arith.constant 0 : index
    %get3A_126 = tpu.vector_load %arg7[%get3A_124, %get3A_125] {strides = array<i32>} : memref<16x64xi32, #tpu.memory_space<vmem>>, vector<16xi32>,
    %or3A_127 = arith.ori %or3A_122, %get3A_126 : vector<16xi32>
    %get3A_128 = arith.constant 12 : i32
    %get3A_129 = arith.index_cast %get3A_128 : i32 to index
    %get3A_130 = arith.constant 0 : index
    %get3A_131 = tpu.vector_load %arg7[%get3A_129, %get3A_130] {strides = array<i32>} : memref<16x64xi32, #tpu.memory_space<vmem>>, vector<16xi32>,
    %or3A_132 = arith.ori %or3A_127, %get3A_131 : vector<16xi32>
    %get3A_133 = arith.constant 13 : i32
    %get3A_134 = arith.index_cast %get3A_133 : i32 to index
    %get3A_135 = arith.constant 0 : index
    %get3A_136 = tpu.vector_load %arg7[%get3A_134, %get3A_135] {strides = array<i32>} : memref<16x64xi32, #tpu.memory_space<vmem>>, vector<16xi32>,
    %or3A_137 = arith.ori %or3A_132, %get3A_136 : vector<16xi32>
    %get3A_138 = arith.constant 14 : i32
    %get3A_139 = arith.index_cast %get3A_138 : i32 to index
    %get3A_140 = arith.constant 0 : index
    %get3A_141 = tpu.vector_load %arg7[%get3A_139, %get3A_140] {strides = array<i32>} : memref<16x64xi32, #tpu.memory_space<vmem>>, vector<16xi32>,
    %or3A_142 = arith.ori %or3A_137, %get3A_141 : vector<16xi32>
    %get3A_143 = arith.constant 15 : i32
    %get3A_144 = arith.index_cast %get3A_143 : i32 to index
    %get3A_145 = arith.constant 0 : index
    %get3A_146 = tpu.vector_load %arg7[%get3A_144, %get3A_145] {strides = array<i32>} : memref<16x64xi32, #tpu.memory_space<vmem>>, vector<16xi32>,
    %or3A_147 = arith.ori %or3A_142, %get3A_146 : vector<16xi32>
    %swap3A_148 = arith.constant 0 : index
    %swap3A_149 = tpu.vector_load %arg5[%swap3A_148] {strides = array<i32>} : memref<64xi32, #tpu.memory_space<vmem>>, vector<16xi32>,
    tpu.vector_store %arg5[%swap3A_148], %or3A_147 {strides = array<i32>} : memref<64xi32, #tpu.memory_space<vmem>>, vector<16xi32>,
    %get3A_150 = arith.constant 0 : i32
    %get3A_151 = arith.index_cast %get3A_150 : i32 to index
    %get3A_152 = arith.constant 16 : index
    %get3A_153 = tpu.vector_load %arg7[%get3A_151, %get3A_152] {strides = array<i32>} : memref<16x64xi32, #tpu.memory_space<vmem>>, vector<16xi32>,
    %get3A_154 = arith.constant 1 : i32
    %get3A_155 = arith.index_cast %get3A_154 : i32 to index
    %get3A_156 = arith.constant 16 : index
    %get3A_157 = tpu.vector_load %arg7[%get3A_155, %get3A_156] {strides = array<i32>} : memref<16x64xi32, #tpu.memory_space<vmem>>, vector<16xi32>,
    %or3A_158 = arith.ori %get3A_153, %get3A_157 : vector<16xi32>
    %get3A_159 = arith.constant 2 : i32
    %get3A_160 = arith.index_cast %get3A_159 : i32 to index
    %get3A_161 = arith.constant 16 : index
    %get3A_162 = tpu.vector_load %arg7[%get3A_160, %get3A_161] {strides = array<i32>} : memref<16x64xi32, #tpu.memory_space<vmem>>, vector<16xi32>,
    %or3A_163 = arith.ori %or3A_158, %get3A_162 : vector<16xi32>
    %get3A_164 = arith.constant 3 : i32
    %get3A_165 = arith.index_cast %get3A_164 : i32 to index
    %get3A_166 = arith.constant 16 : index
    %get3A_167 = tpu.vector_load %arg7[%get3A_165, %get3A_166] {strides = array<i32>} : memref<16x64xi32, #tpu.memory_space<vmem>>, vector<16xi32>,
    %or3A_168 = arith.ori %or3A_163, %get3A_167 : vector<16xi32>
    %get3A_169 = arith.constant 4 : i32
    %get3A_170 = arith.index_cast %get3A_169 : i32 to index
    %get3A_171 = arith.constant 16 : index
    %get3A_172 = tpu.vector_load %arg7[%get3A_170, %get3A_171] {strides = array<i32>} : memref<16x64xi32, #tpu.memory_space<vmem>>, vector<16xi32>,
    %or3A_173 = arith.ori %or3A_168, %get3A_172 : vector<16xi32>
    %get3A_174 = arith.constant 5 : i32
    %get3A_175 = arith.index_cast %get3A_174 : i32 to index
    %get3A_176 = arith.constant 16 : index
    %get3A_177 = tpu.vector_load %arg7[%get3A_175, %get3A_176] {strides = array<i32>} : memref<16x64xi32, #tpu.memory_space<vmem>>, vector<16xi32>,
    %or3A_178 = arith.ori %or3A_173, %get3A_177 : vector<16xi32>
    %get3A_179 = arith.constant 6 : i32
    %get3A_180 = arith.index_cast %get3A_179 : i32 to index
    %get3A_181 = arith.constant 16 : index
    %get3A_182 = tpu.vector_load %arg7[%get3A_180, %get3A_181] {strides = array<i32>} : memref<16x64xi32, #tpu.memory_space<vmem>>, vector<16xi32>,
    %or3A_183 = arith.ori %or3A_178, %get3A_182 : vector<16xi32>
    %get3A_184 = arith.constant 7 : i32
    %get3A_185 = arith.index_cast %get3A_184 : i32 to index
    %get3A_186 = arith.constant 16 : index
    %get3A_187 = tpu.vector_load %arg7[%get3A_185, %get3A_186] {strides = array<i32>} : memref<16x64xi32, #tpu.memory_space<vmem>>, vector<16xi32>,
    %or3A_188 = arith.ori %or3A_183, %get3A_187 : vector<16xi32>
    %get3A_189 = arith.constant 8 : i32
    %get3A_190 = arith.index_cast %get3A_189 : i32 to index
    %get3A_191 = arith.constant 16 : index
    %get3A_192 = tpu.vector_load %arg7[%get3A_190, %get3A_191] {strides = array<i32>} : memref<16x64xi32, #tpu.memory_space<vmem>>, vector<16xi32>,
    %or3A_193 = arith.ori %or3A_188, %get3A_192 : vector<16xi32>
    %get3A_194 = arith.constant 9 : i32
    %get3A_195 = arith.index_cast %get3A_194 : i32 to index
    %get3A_196 = arith.constant 16 : index
    %get3A_197 = tpu.vector_load %arg7[%get3A_195, %get3A_196] {strides = array<i32>} : memref<16x64xi32, #tpu.memory_space<vmem>>, vector<16xi32>,
    %or3A_198 = arith.ori %or3A_193, %get3A_197 : vector<16xi32>
    %get3A_199 = arith.constant 10 : i32
    %get3A_200 = arith.index_cast %get3A_199 : i32 to index
    %get3A_201 = arith.constant 16 : index
    %get3A_202 = tpu.vector_load %arg7[%get3A_200, %get3A_201] {strides = array<i32>} : memref<16x64xi32, #tpu.memory_space<vmem>>, vector<16xi32>,
    %or3A_203 = arith.ori %or3A_198, %get3A_202 : vector<16xi32>
    %get3A_204 = arith.constant 11 : i32
    %get3A_205 = arith.index_cast %get3A_204 : i32 to index
    %get3A_206 = arith.constant 16 : index
    %get3A_207 = tpu.vector_load %arg7[%get3A_205, %get3A_206] {strides = array<i32>} : memref<16x64xi32, #tpu.memory_space<vmem>>, vector<16xi32>,
    %or3A_208 = arith.ori %or3A_203, %get3A_207 : vector<16xi32>
    %get3A_209 = arith.constant 12 : i32
    %get3A_210 = arith.index_cast %get3A_209 : i32 to index
    %get3A_211 = arith.constant 16 : index
    %get3A_212 = tpu.vector_load %arg7[%get3A_210, %get3A_211] {strides = array<i32>} : memref<16x64xi32, #tpu.memory_space<vmem>>, vector<16xi32>,
    %or3A_213 = arith.ori %or3A_208, %get3A_212 : vector<16xi32>
    %get3A_214 = arith.constant 13 : i32
    %get3A_215 = arith.index_cast %get3A_214 : i32 to index
    %get3A_216 = arith.constant 16 : index
    %get3A_217 = tpu.vector_load %arg7[%get3A_215, %get3A_216] {strides = array<i32>} : memref<16x64xi32, #tpu.memory_space<vmem>>, vector<16xi32>,
    %or3A_218 = arith.ori %or3A_213, %get3A_217 : vector<16xi32>
    %get3A_219 = arith.constant 14 : i32
    %get3A_220 = arith.index_cast %get3A_219 : i32 to index
    %get3A_221 = arith.constant 16 : index
    %get3A_222 = tpu.vector_load %arg7[%get3A_220, %get3A_221] {strides = array<i32>} : memref<16x64xi32, #tpu.memory_space<vmem>>, vector<16xi32>,
    %or3A_223 = arith.ori %or3A_218, %get3A_222 : vector<16xi32>
    %get3A_224 = arith.constant 15 : i32
    %get3A_225 = arith.index_cast %get3A_224 : i32 to index
    %get3A_226 = arith.constant 16 : index
    %get3A_227 = tpu.vector_load %arg7[%get3A_225, %get3A_226] {strides = array<i32>} : memref<16x64xi32, #tpu.memory_space<vmem>>, vector<16xi32>,
    %or3A_228 = arith.ori %or3A_223, %get3A_227 : vector<16xi32>
    %swap3A_229 = arith.constant 16 : index
    %swap3A_230 = tpu.vector_load %arg5[%swap3A_229] {strides = array<i32>} : memref<64xi32, #tpu.memory_space<vmem>>, vector<16xi32>,
    tpu.vector_store %arg5[%swap3A_229], %or3A_228 {strides = array<i32>} : memref<64xi32, #tpu.memory_space<vmem>>, vector<16xi32>,
    %get3A_231 = arith.constant 0 : i32
    %get3A_232 = arith.index_cast %get3A_231 : i32 to index
    %get3A_233 = arith.constant 32 : index
    %get3A_234 = tpu.vector_load %arg7[%get3A_232, %get3A_233] {strides = array<i32>} : memref<16x64xi32, #tpu.memory_space<vmem>>, vector<16xi32>,
    %get3A_235 = arith.constant 1 : i32
    %get3A_236 = arith.index_cast %get3A_235 : i32 to index
    %get3A_237 = arith.constant 32 : index
    %get3A_238 = tpu.vector_load %arg7[%get3A_236, %get3A_237] {strides = array<i32>} : memref<16x64xi32, #tpu.memory_space<vmem>>, vector<16xi32>,
    %or3A_239 = arith.ori %get3A_234, %get3A_238 : vector<16xi32>
    %get3A_240 = arith.constant 2 : i32
    %get3A_241 = arith.index_cast %get3A_240 : i32 to index
    %get3A_242 = arith.constant 32 : index
    %get3A_243 = tpu.vector_load %arg7[%get3A_241, %get3A_242] {strides = array<i32>} : memref<16x64xi32, #tpu.memory_space<vmem>>, vector<16xi32>,
    %or3A_244 = arith.ori %or3A_239, %get3A_243 : vector<16xi32>
    %get3A_245 = arith.constant 3 : i32
    %get3A_246 = arith.index_cast %get3A_245 : i32 to index
    %get3A_247 = arith.constant 32 : index
    %get3A_248 = tpu.vector_load %arg7[%get3A_246, %get3A_247] {strides = array<i32>} : memref<16x64xi32, #tpu.memory_space<vmem>>, vector<16xi32>,
    %or3A_249 = arith.ori %or3A_244, %get3A_248 : vector<16xi32>
    %get3A_250 = arith.constant 4 : i32
    %get3A_251 = arith.index_cast %get3A_250 : i32 to index
    %get3A_252 = arith.constant 32 : index
    %get3A_253 = tpu.vector_load %arg7[%get3A_251, %get3A_252] {strides = array<i32>} : memref<16x64xi32, #tpu.memory_space<vmem>>, vector<16xi32>,
    %or3A_254 = arith.ori %or3A_249, %get3A_253 : vector<16xi32>
    %get3A_255 = arith.constant 5 : i32
    %get3A_256 = arith.index_cast %get3A_255 : i32 to index
    %get3A_257 = arith.constant 32 : index
    %get3A_258 = tpu.vector_load %arg7[%get3A_256, %get3A_257] {strides = array<i32>} : memref<16x64xi32, #tpu.memory_space<vmem>>, vector<16xi32>,
    %or3A_259 = arith.ori %or3A_254, %get3A_258 : vector<16xi32>
    %get3A_260 = arith.constant 6 : i32
    %get3A_261 = arith.index_cast %get3A_260 : i32 to index
    %get3A_262 = arith.constant 32 : index
    %get3A_263 = tpu.vector_load %arg7[%get3A_261, %get3A_262] {strides = array<i32>} : memref<16x64xi32, #tpu.memory_space<vmem>>, vector<16xi32>,
    %or3A_264 = arith.ori %or3A_259, %get3A_263 : vector<16xi32>
    %get3A_265 = arith.constant 7 : i32
    %get3A_266 = arith.index_cast %get3A_265 : i32 to index
    %get3A_267 = arith.constant 32 : index
    %get3A_268 = tpu.vector_load %arg7[%get3A_266, %get3A_267] {strides = array<i32>} : memref<16x64xi32, #tpu.memory_space<vmem>>, vector<16xi32>,
    %or3A_269 = arith.ori %or3A_264, %get3A_268 : vector<16xi32>
    %get3A_270 = arith.constant 8 : i32
    %get3A_271 = arith.index_cast %get3A_270 : i32 to index
    %get3A_272 = arith.constant 32 : index
    %get3A_273 = tpu.vector_load %arg7[%get3A_271, %get3A_272] {strides = array<i32>} : memref<16x64xi32, #tpu.memory_space<vmem>>, vector<16xi32>,
    %or3A_274 = arith.ori %or3A_269, %get3A_273 : vector<16xi32>
    %get3A_275 = arith.constant 9 : i32
    %get3A_276 = arith.index_cast %get3A_275 : i32 to index
    %get3A_277 = arith.constant 32 : index
    %get3A_278 = tpu.vector_load %arg7[%get3A_276, %get3A_277] {strides = array<i32>} : memref<16x64xi32, #tpu.memory_space<vmem>>, vector<16xi32>,
    %or3A_279 = arith.ori %or3A_274, %get3A_278 : vector<16xi32>
    %get3A_280 = arith.constant 10 : i32
    %get3A_281 = arith.index_cast %get3A_280 : i32 to index
    %get3A_282 = arith.constant 32 : index
    %get3A_283 = tpu.vector_load %arg7[%get3A_281, %get3A_282] {strides = array<i32>} : memref<16x64xi32, #tpu.memory_space<vmem>>, vector<16xi32>,
    %or3A_284 = arith.ori %or3A_279, %get3A_283 : vector<16xi32>
    %get3A_285 = arith.constant 11 : i32
    %get3A_286 = arith.index_cast %get3A_285 : i32 to index
    %get3A_287 = arith.constant 32 : index
    %get3A_288 = tpu.vector_load %arg7[%get3A_286, %get3A_287] {strides = array<i32>} : memref<16x64xi32, #tpu.memory_space<vmem>>, vector<16xi32>,
    %or3A_289 = arith.ori %or3A_284, %get3A_288 : vector<16xi32>
    %get3A_290 = arith.constant 12 : i32
    %get3A_291 = arith.index_cast %get3A_290 : i32 to index
    %get3A_292 = arith.constant 32 : index
    %get3A_293 = tpu.vector_load %arg7[%get3A_291, %get3A_292] {strides = array<i32>} : memref<16x64xi32, #tpu.memory_space<vmem>>, vector<16xi32>,
    %or3A_294 = arith.ori %or3A_289, %get3A_293 : vector<16xi32>
    %get3A_295 = arith.constant 13 : i32
    %get3A_296 = arith.index_cast %get3A_295 : i32 to index
    %get3A_297 = arith.constant 32 : index
    %get3A_298 = tpu.vector_load %arg7[%get3A_296, %get3A_297] {strides = array<i32>} : memref<16x64xi32, #tpu.memory_space<vmem>>, vector<16xi32>,
    %or3A_299 = arith.ori %or3A_294, %get3A_298 : vector<16xi32>
    %get3A_300 = arith.constant 14 : i32
    %get3A_301 = arith.index_cast %get3A_300 : i32 to index
    %get3A_302 = arith.constant 32 : index
    %get3A_303 = tpu.vector_load %arg7[%get3A_301, %get3A_302] {strides = array<i32>} : memref<16x64xi32, #tpu.memory_space<vmem>>, vector<16xi32>,
    %or3A_304 = arith.ori %or3A_299, %get3A_303 : vector<16xi32>
    %get3A_305 = arith.constant 15 : i32
    %get3A_306 = arith.index_cast %get3A_305 : i32 to index
    %get3A_307 = arith.constant 32 : index
    %get3A_308 = tpu.vector_load %arg7[%get3A_306, %get3A_307] {strides = array<i32>} : memref<16x64xi32, #tpu.memory_space<vmem>>, vector<16xi32>,
    %or3A_309 = arith.ori %or3A_304, %get3A_308 : vector<16xi32>
    %swap3A_310 = arith.constant 32 : index
    %swap3A_311 = tpu.vector_load %arg5[%swap3A_310] {strides = array<i32>} : memref<64xi32, #tpu.memory_space<vmem>>, vector<16xi32>,
    tpu.vector_store %arg5[%swap3A_310], %or3A_309 {strides = array<i32>} : memref<64xi32, #tpu.memory_space<vmem>>, vector<16xi32>,
    %get3A_312 = arith.constant 0 : i32
    %get3A_313 = arith.index_cast %get3A_312 : i32 to index
    %get3A_314 = arith.constant 48 : index
    %get3A_315 = tpu.vector_load %arg7[%get3A_313, %get3A_314] {strides = array<i32>} : memref<16x64xi32, #tpu.memory_space<vmem>>, vector<16xi32>,
    %get3A_316 = arith.constant 1 : i32
    %get3A_317 = arith.index_cast %get3A_316 : i32 to index
    %get3A_318 = arith.constant 48 : index
    %get3A_319 = tpu.vector_load %arg7[%get3A_317, %get3A_318] {strides = array<i32>} : memref<16x64xi32, #tpu.memory_space<vmem>>, vector<16xi32>,
    %or3A_320 = arith.ori %get3A_315, %get3A_319 : vector<16xi32>
    %get3A_321 = arith.constant 2 : i32
    %get3A_322 = arith.index_cast %get3A_321 : i32 to index
    %get3A_323 = arith.constant 48 : index
    %get3A_324 = tpu.vector_load %arg7[%get3A_322, %get3A_323] {strides = array<i32>} : memref<16x64xi32, #tpu.memory_space<vmem>>, vector<16xi32>,
    %or3A_325 = arith.ori %or3A_320, %get3A_324 : vector<16xi32>
    %get3A_326 = arith.constant 3 : i32
    %get3A_327 = arith.index_cast %get3A_326 : i32 to index
    %get3A_328 = arith.constant 48 : index
    %get3A_329 = tpu.vector_load %arg7[%get3A_327, %get3A_328] {strides = array<i32>} : memref<16x64xi32, #tpu.memory_space<vmem>>, vector<16xi32>,
    %or3A_330 = arith.ori %or3A_325, %get3A_329 : vector<16xi32>
    %get3A_331 = arith.constant 4 : i32
    %get3A_332 = arith.index_cast %get3A_331 : i32 to index
    %get3A_333 = arith.constant 48 : index
    %get3A_334 = tpu.vector_load %arg7[%get3A_332, %get3A_333] {strides = array<i32>} : memref<16x64xi32, #tpu.memory_space<vmem>>, vector<16xi32>,
    %or3A_335 = arith.ori %or3A_330, %get3A_334 : vector<16xi32>
    %get3A_336 = arith.constant 5 : i32
    %get3A_337 = arith.index_cast %get3A_336 : i32 to index
    %get3A_338 = arith.constant 48 : index
    %get3A_339 = tpu.vector_load %arg7[%get3A_337, %get3A_338] {strides = array<i32>} : memref<16x64xi32, #tpu.memory_space<vmem>>, vector<16xi32>,
    %or3A_340 = arith.ori %or3A_335, %get3A_339 : vector<16xi32>
    %get3A_341 = arith.constant 6 : i32
    %get3A_342 = arith.index_cast %get3A_341 : i32 to index
    %get3A_343 = arith.constant 48 : index
    %get3A_344 = tpu.vector_load %arg7[%get3A_342, %get3A_343] {strides = array<i32>} : memref<16x64xi32, #tpu.memory_space<vmem>>, vector<16xi32>,
    %or3A_345 = arith.ori %or3A_340, %get3A_344 : vector<16xi32>
    %get3A_346 = arith.constant 7 : i32
    %get3A_347 = arith.index_cast %get3A_346 : i32 to index
    %get3A_348 = arith.constant 48 : index
    %get3A_349 = tpu.vector_load %arg7[%get3A_347, %get3A_348] {strides = array<i32>} : memref<16x64xi32, #tpu.memory_space<vmem>>, vector<16xi32>,
    %or3A_350 = arith.ori %or3A_345, %get3A_349 : vector<16xi32>
    %get3A_351 = arith.constant 8 : i32
    %get3A_352 = arith.index_cast %get3A_351 : i32 to index
    %get3A_353 = arith.constant 48 : index
    %get3A_354 = tpu.vector_load %arg7[%get3A_352, %get3A_353] {strides = array<i32>} : memref<16x64xi32, #tpu.memory_space<vmem>>, vector<16xi32>,
    %or3A_355 = arith.ori %or3A_350, %get3A_354 : vector<16xi32>
    %get3A_356 = arith.constant 9 : i32
    %get3A_357 = arith.index_cast %get3A_356 : i32 to index
    %get3A_358 = arith.constant 48 : index
    %get3A_359 = tpu.vector_load %arg7[%get3A_357, %get3A_358] {strides = array<i32>} : memref<16x64xi32, #tpu.memory_space<vmem>>, vector<16xi32>,
    %or3A_360 = arith.ori %or3A_355, %get3A_359 : vector<16xi32>
    %get3A_361 = arith.constant 10 : i32
    %get3A_362 = arith.index_cast %get3A_361 : i32 to index
    %get3A_363 = arith.constant 48 : index
    %get3A_364 = tpu.vector_load %arg7[%get3A_362, %get3A_363] {strides = array<i32>} : memref<16x64xi32, #tpu.memory_space<vmem>>, vector<16xi32>,
    %or3A_365 = arith.ori %or3A_360, %get3A_364 : vector<16xi32>
    %get3A_366 = arith.constant 11 : i32
    %get3A_367 = arith.index_cast %get3A_366 : i32 to index
    %get3A_368 = arith.constant 48 : index
    %get3A_369 = tpu.vector_load %arg7[%get3A_367, %get3A_368] {strides = array<i32>} : memref<16x64xi32, #tpu.memory_space<vmem>>, vector<16xi32>,
    %or3A_370 = arith.ori %or3A_365, %get3A_369 : vector<16xi32>
    %get3A_371 = arith.constant 12 : i32
    %get3A_372 = arith.index_cast %get3A_371 : i32 to index
    %get3A_373 = arith.constant 48 : index
    %get3A_374 = tpu.vector_load %arg7[%get3A_372, %get3A_373] {strides = array<i32>} : memref<16x64xi32, #tpu.memory_space<vmem>>, vector<16xi32>,
    %or3A_375 = arith.ori %or3A_370, %get3A_374 : vector<16xi32>
    %get3A_376 = arith.constant 13 : i32
    %get3A_377 = arith.index_cast %get3A_376 : i32 to index
    %get3A_378 = arith.constant 48 : index
    %get3A_379 = tpu.vector_load %arg7[%get3A_377, %get3A_378] {strides = array<i32>} : memref<16x64xi32, #tpu.memory_space<vmem>>, vector<16xi32>,
    %or3A_380 = arith.ori %or3A_375, %get3A_379 : vector<16xi32>
    %get3A_381 = arith.constant 14 : i32
    %get3A_382 = arith.index_cast %get3A_381 : i32 to index
    %get3A_383 = arith.constant 48 : index
    %get3A_384 = tpu.vector_load %arg7[%get3A_382, %get3A_383] {strides = array<i32>} : memref<16x64xi32, #tpu.memory_space<vmem>>, vector<16xi32>,
    %or3A_385 = arith.ori %or3A_380, %get3A_384 : vector<16xi32>
    %get3A_386 = arith.constant 15 : i32
    %get3A_387 = arith.index_cast %get3A_386 : i32 to index
    %get3A_388 = arith.constant 48 : index
    %get3A_389 = tpu.vector_load %arg7[%get3A_387, %get3A_388] {strides = array<i32>} : memref<16x64xi32, #tpu.memory_space<vmem>>, vector<16xi32>,
    %or3A_390 = arith.ori %or3A_385, %get3A_389 : vector<16xi32>
    %swap3A_391 = arith.constant 48 : index
    %swap3A_392 = tpu.vector_load %arg5[%swap3A_391] {strides = array<i32>} : memref<64xi32, #tpu.memory_space<vmem>>, vector<16xi32>,
    tpu.vector_store %arg5[%swap3A_391], %or3A_390 {strides = array<i32>} : memref<64xi32, #tpu.memory_space<vmem>>, vector<16xi32>,
    %parallel_loop3A_393 = arith.constant 0 : i32
    %parallel_loop3A_394 = arith.constant 64 : i32
    %parallel_loop3A_395 = arith.constant 1 : i32
    scf.for %parallel_loop3A_462 = %parallel_loop3A_393 to %parallel_loop3A_394 step %parallel_loop3A_395  : i32 {
      %parallel_loop3A_463 = vector.broadcast %parallel_loop3A_462 : i32 to vector<16xi32>
      %parallel_loop3A_464 = tpu.vector_load_idx %arg5[%parallel_loop3A_463] : memref<64xi32, #tpu.memory_space<vmem>>[vector<16xi32>], vector<16xi32>,
      %parallel_loop3A_465 = arith.shrsi %parallel_loop3A_464, %iota3A : vector<16xi32>
      %parallel_loop3A_466 = arith.constant 1 : i32
      %parallel_loop3A_467 = vector.broadcast %parallel_loop3A_466 : i32 to vector<16xi32>
      %parallel_loop3A_468 = arith.andi %parallel_loop3A_465, %parallel_loop3A_467 : vector<16xi32>
      %parallel_loop3A_469 = arith.constant true
      %parallel_loop3A_470 = vector.broadcast %parallel_loop3A_469 : i1 to vector<16xi1>
      %parallel_loop3A_471 = tpu.scan <sum>, %parallel_loop3A_468 masked %parallel_loop3A_470 : vector<16xi32>, vector<16xi1> -> vector<16xi32>
      %parallel_loop3A_472 = arith.subi %parallel_loop3A_471, %parallel_loop3A_468 : vector<16xi32>
      %parallel_loop3A_473 = arith.sitofp %parallel_loop3A_472 : vector<16xi32> to vector<16xf32>
      %parallel_loop3A_474 = arith.index_cast %parallel_loop3A_462 : i32 to index
      %parallel_loop3A_475 = arith.constant 0 : index
      %parallel_loop3A_476 = tpu.vector_load %arg6[%parallel_loop3A_474, %parallel_loop3A_475] {strides = array<i32>} : memref<64x16xf32, #tpu.memory_space<vmem>>, vector<16xf32>,
      tpu.vector_store %arg6[%parallel_loop3A_474, %parallel_loop3A_475], %parallel_loop3A_473 {strides = array<i32>} : memref<64x16xf32, #tpu.memory_space<vmem>>, vector<16xf32>,
    } {sc.loop_unroll_factor = 4 : i64, sc.parallel_access}
    %add3A_396 = arith.constant 0 : i32
    %add3A_397 = vector.broadcast %add3A_396 : i32 to vector<16xi32>
    %add3A_398 = arith.addi %iota3A, %add3A_397 : vector<16xi32>
    %add3A_399 = arith.constant 16 : i32
    %add3A_400 = vector.broadcast %add3A_399 : i32 to vector<16xi32>
    %add3A_401 = arith.addi %iota3A, %add3A_400 : vector<16xi32>
    %add3A_402 = arith.constant 32 : i32
    %add3A_403 = vector.broadcast %add3A_402 : i32 to vector<16xi32>
    %add3A_404 = arith.addi %iota3A, %add3A_403 : vector<16xi32>
    %add3A_405 = arith.constant 48 : i32
    %add3A_406 = vector.broadcast %add3A_405 : i32 to vector<16xi32>
    %add3A_407 = arith.addi %iota3A, %add3A_406 : vector<16xi32>
    %parallel_loop3A_408 = arith.constant 0 : i32
    %parallel_loop3A_409 = arith.constant 128 : i32
    %parallel_loop3A_410 = arith.constant 1 : i32
    scf.for %parallel_loop3A_462 = %parallel_loop3A_408 to %parallel_loop3A_409 step %parallel_loop3A_410  : i32 {
      %parallel_loop3A_463 = arith.index_cast %parallel_loop3A_462 : i32 to index
      %parallel_loop3A_464 = arith.constant 0 : index
      %parallel_loop3A_465 = tpu.vector_load %arg4[%parallel_loop3A_463, %parallel_loop3A_464] {strides = array<i32>} : memref<256x64xf32, #tpu.memory_space<vmem>>, vector<16xf32>,
      %parallel_loop3A_466 = arith.fptosi %parallel_loop3A_465 : vector<16xf32> to vector<16xi32>
      %parallel_loop3A_467 = tpu.vector_load_idx %arg6[%add3A_398, %parallel_loop3A_466] : memref<64x16xf32, #tpu.memory_space<vmem>>[vector<16xi32>, vector<16xi32>], vector<16xf32>,
      %parallel_loop3A_468 = arith.index_cast %parallel_loop3A_462 : i32 to index
      %parallel_loop3A_469 = arith.constant 0 : index
      %parallel_loop3A_470 = tpu.vector_load %arg4[%parallel_loop3A_468, %parallel_loop3A_469] {strides = array<i32>} : memref<256x64xf32, #tpu.memory_space<vmem>>, vector<16xf32>,
      tpu.vector_store %arg4[%parallel_loop3A_468, %parallel_loop3A_469], %parallel_loop3A_467 {strides = array<i32>} : memref<256x64xf32, #tpu.memory_space<vmem>>, vector<16xf32>,
      %parallel_loop3A_471 = arith.index_cast %parallel_loop3A_462 : i32 to index
      %parallel_loop3A_472 = arith.constant 16 : index
      %parallel_loop3A_473 = tpu.vector_load %arg4[%parallel_loop3A_471, %parallel_loop3A_472] {strides = array<i32>} : memref<256x64xf32, #tpu.memory_space<vmem>>, vector<16xf32>,
      %parallel_loop3A_474 = arith.fptosi %parallel_loop3A_473 : vector<16xf32> to vector<16xi32>
      %parallel_loop3A_475 = tpu.vector_load_idx %arg6[%add3A_401, %parallel_loop3A_474] : memref<64x16xf32, #tpu.memory_space<vmem>>[vector<16xi32>, vector<16xi32>], vector<16xf32>,
      %parallel_loop3A_476 = arith.index_cast %parallel_loop3A_462 : i32 to index
      %parallel_loop3A_477 = arith.constant 16 : index
      %parallel_loop3A_478 = tpu.vector_load %arg4[%parallel_loop3A_476, %parallel_loop3A_477] {strides = array<i32>} : memref<256x64xf32, #tpu.memory_space<vmem>>, vector<16xf32>,
      tpu.vector_store %arg4[%parallel_loop3A_476, %parallel_loop3A_477], %parallel_loop3A_475 {strides = array<i32>} : memref<256x64xf32, #tpu.memory_space<vmem>>, vector<16xf32>,
      %parallel_loop3A_479 = arith.index_cast %parallel_loop3A_462 : i32 to index
      %parallel_loop3A_480 = arith.constant 32 : index
      %parallel_loop3A_481 = tpu.vector_load %arg4[%parallel_loop3A_479, %parallel_loop3A_480] {strides = array<i32>} : memref<256x64xf32, #tpu.memory_space<vmem>>, vector<16xf32>,
      %parallel_loop3A_482 = arith.fptosi %parallel_loop3A_481 : vector<16xf32> to vector<16xi32>
      %parallel_loop3A_483 = tpu.vector_load_idx %arg6[%add3A_404, %parallel_loop3A_482] : memref<64x16xf32, #tpu.memory_space<vmem>>[vector<16xi32>, vector<16xi32>], vector<16xf32>,
      %parallel_loop3A_484 = arith.index_cast %parallel_loop3A_462 : i32 to index
      %parallel_loop3A_485 = arith.constant 32 : index
      %parallel_loop3A_486 = tpu.vector_load %arg4[%parallel_loop3A_484, %parallel_loop3A_485] {strides = array<i32>} : memref<256x64xf32, #tpu.memory_space<vmem>>, vector<16xf32>,
      tpu.vector_store %arg4[%parallel_loop3A_484, %parallel_loop3A_485], %parallel_loop3A_483 {strides = array<i32>} : memref<256x64xf32, #tpu.memory_space<vmem>>, vector<16xf32>,
      %parallel_loop3A_487 = arith.index_cast %parallel_loop3A_462 : i32 to index
      %parallel_loop3A_488 = arith.constant 48 : index
      %parallel_loop3A_489 = tpu.vector_load %arg4[%parallel_loop3A_487, %parallel_loop3A_488] {strides = array<i32>} : memref<256x64xf32, #tpu.memory_space<vmem>>, vector<16xf32>,
      %parallel_loop3A_490 = arith.fptosi %parallel_loop3A_489 : vector<16xf32> to vector<16xi32>
      %parallel_loop3A_491 = tpu.vector_load_idx %arg6[%add3A_407, %parallel_loop3A_490] : memref<64x16xf32, #tpu.memory_space<vmem>>[vector<16xi32>, vector<16xi32>], vector<16xf32>,
      %parallel_loop3A_492 = arith.index_cast %parallel_loop3A_462 : i32 to index
      %parallel_loop3A_493 = arith.constant 48 : index
      %parallel_loop3A_494 = tpu.vector_load %arg4[%parallel_loop3A_492, %parallel_loop3A_493] {strides = array<i32>} : memref<256x64xf32, #tpu.memory_space<vmem>>, vector<16xf32>,
      tpu.vector_store %arg4[%parallel_loop3A_492, %parallel_loop3A_493], %parallel_loop3A_491 {strides = array<i32>} : memref<256x64xf32, #tpu.memory_space<vmem>>, vector<16xf32>,
    } {sc.loop_unroll_factor = 2 : i64, sc.parallel_access}
    %add3A_411 = arith.constant 0 : i32
    %add3A_412 = arith.addi %mul3A_0, %add3A_411 : i32
    %dma_start3A_413 = arith.constant 0 : i32
    %dma_start3A_414 = arith.constant 0 : i32
    %dma_start3A_415 = arith.constant 0 : i32
    %dma_start3A_416 = tpu.memref_slice %arg4[%dma_start3A_414, %dma_start3A_415] : memref<256x64xf32, #tpu.memory_space<vmem>> -> memref<128x64xf32, #tpu.memory_space<vmem>>
    %dma_start3A_417 = tpu.memref_slice %arg3[%add3A_412, %mul3A_2] : memref<4096x128xf32, #tpu.memory_space<hbm>> -> memref<128x64xf32, #tpu.memory_space<hbm>>
    %dma_start3A_418 = tpu.memref_slice %arg9[%dma_start3A_413] : memref<2x!tpu.dma_semaphore, #tpu.memory_space<semaphore_mem>> -> memref<1x!tpu.dma_semaphore, #tpu.memory_space<semaphore_mem>>
    %dma_start3A_419 = tpu.memref_squeeze %dma_start3A_418 : memref<1x!tpu.dma_semaphore, #tpu.memory_space<semaphore_mem>> -> memref<!tpu.dma_semaphore, #tpu.memory_space<semaphore_mem>>
    %dma_start3A_420 = tpu.memref_slice %arg3[%add3A_412, %mul3A_2] : memref<4096x128xf32, #tpu.memory_space<hbm>> -> memref<128x64xf32, #tpu.memory_space<hbm>>
    %dma_start3A_421 = arith.constant 0 : i32
    %dma_start3A_422 = arith.constant 0 : i32
    %dma_start3A_423 = tpu.memref_slice %arg4[%dma_start3A_421, %dma_start3A_422] : memref<256x64xf32, #tpu.memory_space<vmem>> -> memref<128x64xf32, #tpu.memory_space<vmem>>
    tpu.enqueue_dma source(%dma_start3A_423 : memref<128x64xf32, #tpu.memory_space<vmem>>) target(%dma_start3A_420 : memref<128x64xf32, #tpu.memory_space<hbm>>) target_semaphore(%dma_start3A_419 : memref<!tpu.dma_semaphore, #tpu.memory_space<semaphore_mem>>)
    %parallel_loop3A_424 = arith.constant 128 : i32
    %parallel_loop3A_425 = arith.constant 256 : i32
    %parallel_loop3A_426 = arith.constant 1 : i32
    scf.for %parallel_loop3A_462 = %parallel_loop3A_424 to %parallel_loop3A_425 step %parallel_loop3A_426  : i32 {
      %parallel_loop3A_463 = arith.index_cast %parallel_loop3A_462 : i32 to index
      %parallel_loop3A_464 = arith.constant 0 : index
      %parallel_loop3A_465 = tpu.vector_load %arg4[%parallel_loop3A_463, %parallel_loop3A_464] {strides = array<i32>} : memref<256x64xf32, #tpu.memory_space<vmem>>, vector<16xf32>,
      %parallel_loop3A_466 = arith.fptosi %parallel_loop3A_465 : vector<16xf32> to vector<16xi32>
      %parallel_loop3A_467 = tpu.vector_load_idx %arg6[%add3A_398, %parallel_loop3A_466] : memref<64x16xf32, #tpu.memory_space<vmem>>[vector<16xi32>, vector<16xi32>], vector<16xf32>,
      %parallel_loop3A_468 = arith.index_cast %parallel_loop3A_462 : i32 to index
      %parallel_loop3A_469 = arith.constant 0 : index
      %parallel_loop3A_470 = tpu.vector_load %arg4[%parallel_loop3A_468, %parallel_loop3A_469] {strides = array<i32>} : memref<256x64xf32, #tpu.memory_space<vmem>>, vector<16xf32>,
      tpu.vector_store %arg4[%parallel_loop3A_468, %parallel_loop3A_469], %parallel_loop3A_467 {strides = array<i32>} : memref<256x64xf32, #tpu.memory_space<vmem>>, vector<16xf32>,
      %parallel_loop3A_471 = arith.index_cast %parallel_loop3A_462 : i32 to index
      %parallel_loop3A_472 = arith.constant 16 : index
      %parallel_loop3A_473 = tpu.vector_load %arg4[%parallel_loop3A_471, %parallel_loop3A_472] {strides = array<i32>} : memref<256x64xf32, #tpu.memory_space<vmem>>, vector<16xf32>,
      %parallel_loop3A_474 = arith.fptosi %parallel_loop3A_473 : vector<16xf32> to vector<16xi32>
      %parallel_loop3A_475 = tpu.vector_load_idx %arg6[%add3A_401, %parallel_loop3A_474] : memref<64x16xf32, #tpu.memory_space<vmem>>[vector<16xi32>, vector<16xi32>], vector<16xf32>,
      %parallel_loop3A_476 = arith.index_cast %parallel_loop3A_462 : i32 to index
      %parallel_loop3A_477 = arith.constant 16 : index
      %parallel_loop3A_478 = tpu.vector_load %arg4[%parallel_loop3A_476, %parallel_loop3A_477] {strides = array<i32>} : memref<256x64xf32, #tpu.memory_space<vmem>>, vector<16xf32>,
      tpu.vector_store %arg4[%parallel_loop3A_476, %parallel_loop3A_477], %parallel_loop3A_475 {strides = array<i32>} : memref<256x64xf32, #tpu.memory_space<vmem>>, vector<16xf32>,
      %parallel_loop3A_479 = arith.index_cast %parallel_loop3A_462 : i32 to index
      %parallel_loop3A_480 = arith.constant 32 : index
      %parallel_loop3A_481 = tpu.vector_load %arg4[%parallel_loop3A_479, %parallel_loop3A_480] {strides = array<i32>} : memref<256x64xf32, #tpu.memory_space<vmem>>, vector<16xf32>,
      %parallel_loop3A_482 = arith.fptosi %parallel_loop3A_481 : vector<16xf32> to vector<16xi32>
      %parallel_loop3A_483 = tpu.vector_load_idx %arg6[%add3A_404, %parallel_loop3A_482] : memref<64x16xf32, #tpu.memory_space<vmem>>[vector<16xi32>, vector<16xi32>], vector<16xf32>,
      %parallel_loop3A_484 = arith.index_cast %parallel_loop3A_462 : i32 to index
      %parallel_loop3A_485 = arith.constant 32 : index
      %parallel_loop3A_486 = tpu.vector_load %arg4[%parallel_loop3A_484, %parallel_loop3A_485] {strides = array<i32>} : memref<256x64xf32, #tpu.memory_space<vmem>>, vector<16xf32>,
      tpu.vector_store %arg4[%parallel_loop3A_484, %parallel_loop3A_485], %parallel_loop3A_483 {strides = array<i32>} : memref<256x64xf32, #tpu.memory_space<vmem>>, vector<16xf32>,
      %parallel_loop3A_487 = arith.index_cast %parallel_loop3A_462 : i32 to index
      %parallel_loop3A_488 = arith.constant 48 : index
      %parallel_loop3A_489 = tpu.vector_load %arg4[%parallel_loop3A_487, %parallel_loop3A_488] {strides = array<i32>} : memref<256x64xf32, #tpu.memory_space<vmem>>, vector<16xf32>,
      %parallel_loop3A_490 = arith.fptosi %parallel_loop3A_489 : vector<16xf32> to vector<16xi32>
      %parallel_loop3A_491 = tpu.vector_load_idx %arg6[%add3A_407, %parallel_loop3A_490] : memref<64x16xf32, #tpu.memory_space<vmem>>[vector<16xi32>, vector<16xi32>], vector<16xf32>,
      %parallel_loop3A_492 = arith.index_cast %parallel_loop3A_462 : i32 to index
      %parallel_loop3A_493 = arith.constant 48 : index
      %parallel_loop3A_494 = tpu.vector_load %arg4[%parallel_loop3A_492, %parallel_loop3A_493] {strides = array<i32>} : memref<256x64xf32, #tpu.memory_space<vmem>>, vector<16xf32>,
      tpu.vector_store %arg4[%parallel_loop3A_492, %parallel_loop3A_493], %parallel_loop3A_491 {strides = array<i32>} : memref<256x64xf32, #tpu.memory_space<vmem>>, vector<16xf32>,
    } {sc.loop_unroll_factor = 2 : i64, sc.parallel_access}
    %add3A_427 = arith.constant 128 : i32
    %add3A_428 = arith.addi %mul3A_0, %add3A_427 : i32
    %dma_start3A_429 = arith.constant 1 : i32
    %dma_start3A_430 = arith.constant 128 : i32
    %dma_start3A_431 = arith.constant 0 : i32
    %dma_start3A_432 = tpu.memref_slice %arg4[%dma_start3A_430, %dma_start3A_431] : memref<256x64xf32, #tpu.memory_space<vmem>> -> memref<128x64xf32, #tpu.memory_space<vmem>>
    %dma_start3A_433 = tpu.memref_slice %arg3[%add3A_428, %mul3A_2] : memref<4096x128xf32, #tpu.memory_space<hbm>> -> memref<128x64xf32, #tpu.memory_space<hbm>>
    %dma_start3A_434 = tpu.memref_slice %arg9[%dma_start3A_429] : memref<2x!tpu.dma_semaphore, #tpu.memory_space<semaphore_mem>> -> memref<1x!tpu.dma_semaphore, #tpu.memory_space<semaphore_mem>>
    %dma_start3A_435 = tpu.memref_squeeze %dma_start3A_434 : memref<1x!tpu.dma_semaphore, #tpu.memory_space<semaphore_mem>> -> memref<!tpu.dma_semaphore, #tpu.memory_space<semaphore_mem>>
    %dma_start3A_436 = tpu.memref_slice %arg3[%add3A_428, %mul3A_2] : memref<4096x128xf32, #tpu.memory_space<hbm>> -> memref<128x64xf32, #tpu.memory_space<hbm>>
    %dma_start3A_437 = arith.constant 128 : i32
    %dma_start3A_438 = arith.constant 0 : i32
    %dma_start3A_439 = tpu.memref_slice %arg4[%dma_start3A_437, %dma_start3A_438] : memref<256x64xf32, #tpu.memory_space<vmem>> -> memref<128x64xf32, #tpu.memory_space<vmem>>
    tpu.enqueue_dma source(%dma_start3A_439 : memref<128x64xf32, #tpu.memory_space<vmem>>) target(%dma_start3A_436 : memref<128x64xf32, #tpu.memory_space<hbm>>) target_semaphore(%dma_start3A_435 : memref<!tpu.dma_semaphore, #tpu.memory_space<semaphore_mem>>)
    %dma_wait3A_440 = arith.constant 0 : i32
    %dma_wait3A_441 = arith.constant 0 : i32
    %dma_wait3A_442 = arith.constant 0 : i32
    %dma_wait3A_443 = tpu.memref_slice %arg4[%dma_wait3A_441, %dma_wait3A_442] : memref<256x64xf32, #tpu.memory_space<vmem>> -> memref<128x64xf32, #tpu.memory_space<vmem>>
    %dma_wait3A_444 = tpu.memref_slice %arg3[%add3A_412, %mul3A_2] : memref<4096x128xf32, #tpu.memory_space<hbm>> -> memref<128x64xf32, #tpu.memory_space<hbm>>
    %dma_wait3A_445 = tpu.memref_slice %arg9[%dma_wait3A_440] : memref<2x!tpu.dma_semaphore, #tpu.memory_space<semaphore_mem>> -> memref<1x!tpu.dma_semaphore, #tpu.memory_space<semaphore_mem>>
    %dma_wait3A_446 = tpu.memref_squeeze %dma_wait3A_445 : memref<1x!tpu.dma_semaphore, #tpu.memory_space<semaphore_mem>> -> memref<!tpu.dma_semaphore, #tpu.memory_space<semaphore_mem>>
    %dma_wait3A_447 = tpu.memref_slice %arg3[%add3A_412, %mul3A_2] : memref<4096x128xf32, #tpu.memory_space<hbm>> -> memref<128x64xf32, #tpu.memory_space<hbm>>
    %dma_wait3A_448 = arith.constant 0 : i32
    %dma_wait3A_449 = arith.constant 0 : i32
    %dma_wait3A_450 = tpu.memref_slice %arg4[%dma_wait3A_448, %dma_wait3A_449] : memref<256x64xf32, #tpu.memory_space<vmem>> -> memref<128x64xf32, #tpu.memory_space<vmem>>
    tpu.wait_dma2 semaphore(%dma_wait3A_446 : memref<!tpu.dma_semaphore, #tpu.memory_space<semaphore_mem>>) src(%dma_wait3A_450 : memref<128x64xf32, #tpu.memory_space<vmem>>) dst(%dma_wait3A_447 : memref<128x64xf32, #tpu.memory_space<hbm>>)
    %dma_wait3A_451 = arith.constant 1 : i32
    %dma_wait3A_452 = arith.constant 128 : i32
    %dma_wait3A_453 = arith.constant 0 : i32
    %dma_wait3A_454 = tpu.memref_slice %arg4[%dma_wait3A_452, %dma_wait3A_453] : memref<256x64xf32, #tpu.memory_space<vmem>> -> memref<128x64xf32, #tpu.memory_space<vmem>>
    %dma_wait3A_455 = tpu.memref_slice %arg3[%add3A_428, %mul3A_2] : memref<4096x128xf32, #tpu.memory_space<hbm>> -> memref<128x64xf32, #tpu.memory_space<hbm>>
    %dma_wait3A_456 = tpu.memref_slice %arg9[%dma_wait3A_451] : memref<2x!tpu.dma_semaphore, #tpu.memory_space<semaphore_mem>> -> memref<1x!tpu.dma_semaphore, #tpu.memory_space<semaphore_mem>>
    %dma_wait3A_457 = tpu.memref_squeeze %dma_wait3A_456 : memref<1x!tpu.dma_semaphore, #tpu.memory_space<semaphore_mem>> -> memref<!tpu.dma_semaphore, #tpu.memory_space<semaphore_mem>>
    %dma_wait3A_458 = tpu.memref_slice %arg3[%add3A_428, %mul3A_2] : memref<4096x128xf32, #tpu.memory_space<hbm>> -> memref<128x64xf32, #tpu.memory_space<hbm>>
    %dma_wait3A_459 = arith.constant 128 : i32
    %dma_wait3A_460 = arith.constant 0 : i32
    %dma_wait3A_461 = tpu.memref_slice %arg4[%dma_wait3A_459, %dma_wait3A_460] : memref<256x64xf32, #tpu.memory_space<vmem>> -> memref<128x64xf32, #tpu.memory_space<vmem>>
    tpu.wait_dma2 semaphore(%dma_wait3A_457 : memref<!tpu.dma_semaphore, #tpu.memory_space<semaphore_mem>>) src(%dma_wait3A_461 : memref<128x64xf32, #tpu.memory_space<vmem>>) dst(%dma_wait3A_458 : memref<128x64xf32, #tpu.memory_space<hbm>>)
    return
  }
}

</mosaic_0001>

<sc_bundles>
// kernel: kernel.3.cloned.1.call-start
scs
__scs_entry_jumppad:
0x0: {  	(pc) =	sbr.rel $0x88, $3  }
0x1: {  	(tag) =	ssettag $0x0;
	lr =	simm.s32 $0x1  }
0x2: {  	[smem:$0x3FA0] =	sst lr;
	_ =	strace $0xD0000000  }
0x3: {  	_ = 	snop  }
0x4: {  	_ = 	snop  }
0x5: {  	_ = 	snop  }
0x6: {  	_ = 	snop  }
0x7: {  	_ = 	snop  }
__scs_overlays_trampoline_lowered:
0x8: {  	[smem:$0x3FAF] =	sst s0  }
0x9: {  	[smem:$0x3FB0] =	sst s1  }
0xa: {  	[smem:$0x3FB1] =	sst s2  }
0xb: {  	[smem:$0x3FB2] =	sst s3  }
0xc: {  	[smem:$0x3FB3] =	sst s4  }
0xd: {  	[smem:$0x3FB4] =	sst s5  }
0xe: {  	[smem:$0x3FB5] =	sst s6  }
0xf: {  	[smem:$0x3FB6] =	sst s7  }
0x10: {  	[smem:$0x3FB7] =	sst s8  }
0x11: {  	[smem:$0x3FB8] =	sst s9;
	s0 =	simm.s32 @!p0 $0x0  }
0x12: {  	s1 =	sld [smem:$0x3F9E];
	s0 =	simm.s32 @p0 $0x1  }
0x13: {  	[smem:$0x3FB9] =	sst s0;
	s0 =	simm.s32 @!p1 $0x0  }
0x14: {  	s2 =	sld [smem:$0x3F9D];
	s0 =	simm.s32 @p1 $0x1  }
0x15: {  	[smem:$0x3FBA] =	sst s0;
	s0 =	simm.s32 @!p2 $0x0  }
0x16: {  	s3 =	sld [smem:$0x3FDB];
	s0 =	simm.s32 @p2 $0x1  }
0x17: {  	s4 =	simm.s32 $0x1BF5;
	[smem:$0x3FBC] =	sst s0  }
0x18: {  	s0 =	sld [smem:$0x3F9F];
	_ =	swait.ge [sflag:s4], $0x0  }
0x19: {  	s7 =	sld [smem:$0x3FA0]  }
0x1a: {  	s8 =	sadd.s32 $0xFFFFE003, lr  }
0x1b: {  	s9 =	sadd.s32 $0xFFFFFEF7, lr;
	s5 =	simm.s32 $0xFFFFFFFF;
	p2 =	slt.u32 s8, $0xFFFFF086  }
0x1c: {  	p1 =	slt.u32 s9, $0xF7A;
	s5 =	simm.s32 @!p2 $0x0  }
0x1d: {  	s5 =	simm.s32 @p1 $0x1;
	p0 =	seq.s32 s7, s2  }
0x1e: {  	s7 =	smul.u32 @!p0 $0xF7A, s2;
	p2 =	seq.s32 @!p0 s5, $0x0  }
0x1f: {  	s9 =	smul.u32 $0xF7A, s1;
	s8 =	simm.s32 @!p0 $0x1BF5;
	p2 =	por !p2, p0  }
0x20: {  	[sflag:s8] =	ssyncset.s32 @!p0 $0xFFFFF086;
	s6 =	sadd.s32 @!p0 s3, s7;
	s7 =	simm.s32 @!p0 $0x108  }
0x21: {  	s3 =	sadd.s32 s3, s9;
	s6 =	sadd.s32 @!p0 $0x88, s6;
	s7 =	simm.s32 @p2 $0x1082  }
0x22: {  	[simem:s7], [sflag:s8] =	dma.local @!p0 [hbm:s6], $0xF7A  }
0x23: {  	s9 =	sor.u32 $0xD0000000, s2;
	s6 =	simm.s32 $0x108;
	_ =	swait.ge @!p0 [sflag:s8], $0x0  }
0x24: {  	s3 =	sadd.s32 $0x88, s3;
	s6 =	simm.s32 @!p1 $0x1082;
	[sflag:s4] =	ssyncset.s32 $0xFFFFF086  }
0x25: {  	[simem:s6], [sflag:s4] =	dma.local [hbm:s3], $0xF7A  }
0x26: {  	[smem:$0x3FA0] =	sst s1;
	(tag) =	ssettag s2;
	_ =	strace s9  }
0x27: {  	s1 =	sld [smem:$0x3FB0]  }
0x28: {  	s2 =	sld [smem:$0x3FB1]  }
0x29: {  	s4 =	sld [smem:$0x3FB3]  }
0x2a: {  	p0 =	seq.s32 s5, $0x0;
	s5 =	sld [smem:$0x3FB4]  }
0x2b: {  	s6 =	sld [smem:$0x3FB5]  }
0x2c: {  	s7 =	sld [smem:$0x3FB6]  }
0x2d: {  	s3 =	simm.s32 $0x108;
	s8 =	sld [smem:$0x3FB7]  }
0x2e: {  	s3 =	simm.s32 @!p0 $0x1082;
	s9 =	sld [smem:$0x3FB8]  }
0x2f: {  	lr =	sadd.s32 s0, s3;
	s0 =	sld [smem:$0x3FAF]  }
0x30: {  	s3 =	sld [smem:$0x3FB2]  }
0x31: {  	[smem:$0x3FBB] =	sst s10  }
0x32: {  	s10 =	sld [smem:$0x3FB9];
	_ =	sdelay $0x3  }
0x33: {  	p0 =	seq.s32 s10, $0x1;
	s10 =	sld [smem:$0x3FBB];
	_ =	sdelay $0x3  }
0x34: {  	[smem:$0x3FBB] =	sst s10  }
0x35: {  	s10 =	sld [smem:$0x3FBA];
	_ =	sdelay $0x3  }
0x36: {  	p1 =	seq.s32 s10, $0x1;
	s10 =	sld [smem:$0x3FBB];
	_ =	sdelay $0x3  }
0x37: {  	[smem:$0x3FBB] =	sst s10  }
0x38: {  	s10 =	sld [smem:$0x3FBC]  }
0x39: {  	_ = 	snop;
	(pc) =	sbr.ind lr, $3  }
0x3a: {  	_ = 	snop  }
0x3b: {  	_ = 	snop  }
0x3c: {  	p2 =	seq.s32 s10, $0x1;
	s10 =	sld [smem:$0x3FBB]  }
0x3d: {  	_ =	shalt  }
0x3e: {  	_ =	shalt  }
0x3f: {  	_ =	shalt  }
0x40: {  	_ =	shalt  }
0x41: {  	_ =	shalt  }
0x42: {  	_ =	shalt  }
0x43: {  	_ =	shalt  }
0x44: {  	_ =	shalt  }
0x45: {  	_ =	shalt  }
0x46: {  	_ =	shalt  }
0x47: {  	_ =	shalt  }
0x48: {  	_ =	shalt  }
0x49: {  	_ =	shalt  }
0x4a: {  	_ =	shalt  }
0x4b: {  	_ =	shalt  }
0x4c: {  	_ =	shalt  }
0x4d: {  	_ =	shalt  }
0x4e: {  	_ =	shalt  }
0x4f: {  	_ =	shalt  }
0x50: {  	_ =	shalt  }
0x51: {  	_ =	shalt  }
0x52: {  	_ =	shalt  }
0x53: {  	_ =	shalt  }
0x54: {  	_ =	shalt  }
0x55: {  	_ =	shalt  }
0x56: {  	_ =	shalt  }
0x57: {  	_ =	shalt  }
0x58: {  	_ =	shalt  }
0x59: {  	_ =	shalt  }
0x5a: {  	_ =	shalt  }
0x5b: {  	_ =	shalt  }
0x5c: {  	_ =	shalt  }
0x5d: {  	_ =	shalt  }
0x5e: {  	_ =	shalt  }
0x5f: {  	_ =	shalt  }
0x60: {  	_ =	shalt  }
0x61: {  	_ =	shalt  }
0x62: {  	_ =	shalt  }
0x63: {  	_ =	shalt  }
0x64: {  	_ =	shalt  }
0x65: {  	_ =	shalt  }
0x66: {  	_ =	shalt  }
0x67: {  	_ =	shalt  }
0x68: {  	_ =	shalt  }
0x69: {  	_ =	shalt  }
0x6a: {  	_ =	shalt  }
0x6b: {  	_ =	shalt  }
0x6c: {  	_ =	shalt  }
0x6d: {  	_ =	shalt  }
0x6e: {  	_ =	shalt  }
0x6f: {  	_ =	shalt  }
0x70: {  	_ =	shalt  }
0x71: {  	_ =	shalt  }
0x72: {  	_ =	shalt  }
0x73: {  	_ =	shalt  }
0x74: {  	_ =	shalt  }
0x75: {  	_ =	shalt  }
0x76: {  	_ =	shalt  }
0x77: {  	_ =	shalt  }
0x78: {  	_ =	shalt  }
0x79: {  	_ =	shalt  }
0x7a: {  	_ =	shalt  }
0x7b: {  	_ =	shalt  }
0x7c: {  	_ =	shalt  }
0x7d: {  	_ =	shalt  }
0x7e: {  	_ =	shalt  }
0x7f: {  	_ =	shalt  }
0x80: {  	_ =	shalt  }
0x81: {  	_ =	shalt  }
0x82: {  	_ =	shalt  }
0x83: {  	_ =	shalt  }
0x84: {  	_ =	shalt  }
0x85: {  	_ =	shalt  }
0x86: {  	_ =	shalt  }
0x87: {  	_ =	shalt  }
.Lfunc_end0:
.L_simem_size_0:
called_computation_lowered:
.L_overlay_start_0:
0x88: {  	s2 =	sld [smem:$0x3FD9]  }
0x89: {  	s3 =	sld [smem:$0x3FFE];
	_ =	sdelay $0x1  }
0x8a: {  	s1 =	srdreg.scid  }
0x8b: {  	s0 =	sand.u32 $0x1, s1  }
0x8c: {  	s18 =	sshll.u32 s0, $0xA;
	s2 =	sadd.s32 s3, s2  }
0x8d: {  	s2 =	sadd.s32 s2, s18  }
0x8e: {  	[smem:$0x3FC7] =	sst s2  }
0x8f: {  	_ = 	snop  }
0x90: {  	s2 =	sld [smem:$0x3FC9]  }
0x91: {  	s19 =	sld [smem:$0x3FD0];
	(tm) =	ssettm $0x1  }
0x92: {  	s4 =	sld [smem:$0x3FFB];
	_ =	sdelay $0x3  }
0x93: {  	_ =	strace s4  }
0x94: {  	s4 =	sld [smem:$0x3FFC];
	_ =	sdelay $0x3  }
0x95: {  	_ =	strace s4  }
0x96: {  	s4 =	sld [smem:$0x3FFD];
	_ =	sdelay $0x3  }
0x97: {  	_ =	strace s4  }
0x98: {  	_ =	strace $0x8FFFFFFF  }
0x99: {  	s20 =	sld [smem:$0x3FDB];
	_ =	sdelay $0x1  }
0x9a: {  	s5 =	simm.s32 $_scs_section_size  }
0x9b: {  	s6 =	simm.s32 $_size__tile_overlayer_lowered;
	s7 =	simm.s32 $_tile_overlayer_lowered  }
0x9c: {  	s23 =	simm.s32 $0x1BFF;
	s22 =	sshll.u32 s7, $0x1;
	s4 =	sadd.s32 s5, s20  }
0x9d: {  	s8 =	simm.s32 $0x0;
	s21 =	sshll.u32 s6, $0x1;
	s6 =	sadd.s32 s22, s4  }
0x9e: {  	[timem:s8], [sflag:s23] =	dma.local [hbm:s6], s21  }
0x9f: {  	_ =	swait.ge [sflag:s23], s21  }
0xa0: {  	s5 =	ssub.s32 $0x0, s21;
	[sflag:s23] =	ssyncset.done $0x0  }
0xa1: {  	[sflag:s23] =	ssyncadd.s32 s5;
	_ =	sdelay $0x1  }
0xa2: {  	s24 =	simm.s32 $0x1B8B  }
0xa3: {  	_ =	swait.ge [sflag:s24], $0x1  }
0xa4: {  	[sflag:s24] =	ssyncset.done $0x0  }
0xa5: {  	s25 =	simm.s32 $0x1B8E;
	[sflag:s24] =	ssyncadd.s32 $0xFFFFFFFF  }
0xa6: {  	s26 =	simm.s32 $execute0_lowered;
	[smem:$0x3FD2] =	sst s25  }
0xa7: {  	s5 =	sshll.u32 s26, $0x1;
	_ =	strace $0x80000046;
	[dreg:$0x1] =	wrdreg $0xFFFFFFFF  }
0xa8: {  	s28 =	simm.s32 $_size_execute0_lowered;
	s4 =	sadd.s32 s4, s5;
	[dreg:$0x0] =	wrdreg $0x0  }
0xa9: {  	s5 =	sshll.u32 s28, $0x1;
	[dreg:$0x2] =	wrdreg s4  }
0xaa: {  	[dreg:$0x3] =	wrdreg s5  }
0xab: {  	[dreg:$0x4] =	wrdreg $0xC0  }
0xac: {  	_ =	task [dreg:s8], $0x5FFFF  }
0xad: {  	[dreg:$0x1] =	wrdreg $0xFFFFFFFF  }
0xae: {  	[dreg:$0x0] =	wrdreg $0x60  }
0xaf: {  	[dreg:$0x2] =	wrdreg s2  }
0xb0: {  	[dreg:$0x3] =	wrdreg s19  }
0xb1: {  	[dreg:$0x4] =	wrdreg $0x48400  }
0xb2: {  	[dreg:$0x5] =	wrdreg $0x9  }
0xb3: {  	_ =	task.clear_ibuf [dreg:s8], $0x6FFFF;
	_ =	strace $0x90000046  }
0xb4: {  	s29 =	simm.s32 $0x9;
	_ =	strace $0x80000048  }
0xb5: {  	_ =	swait.ge [sflag:s29], $0x1  }
0xb6: {  	[sflag:s29] =	ssyncadd.s32 $0xFFFFFFFF  }
0xb7: {  	_ =	strace $0x90000048  }
0xb8: {  	_ =	sfence  }
0xb9: {  	s30 =	sld [smem:$0x0];
	_ =	sdelay $0x2  }
0xba: {  	s31 =	sshll.u32 s1, $0xD;
	s1 =	sshrl.u32 s1, $0x2  }
0xbb: {  	s3 =	sand.u32 $0x4000, s31;
	s1 =	sadd.s32 s1, s30  }
0xbc: {  	s0 =	sor.u32 s3, s0;
	s1 =	sshll.u32 s1, $0x11  }
0xbd: {  	s0 =	sor.u32 s1, s0  }
0xbe: {  	s0 =	sadd.s32 $0x8F2B, s0  }
0xbf: {  	[sflag:s0] =	ssyncadd.remote.s32 $0x1  }
0xc0: {  	_ =	sfence.sel $0xFFFF  }
0xc1: {  	[dreg:$0x0] =	wrdreg $0xFFFFFFFF;
	(pc) =	sbr.abs _section_cstart, $3  }
0xc2: {  	[dreg:$0x1] =	wrdreg $0xFFFFFFFF  }
0xc3: {  	_ =	task.clear_ibuf [dreg:s8], $0x2FFFF;
	_ =	strace $0x9FFFFFFF  }
0xc4: {  	(tm) =	ssettm $0x7FFFFFFF  }
0xc5: {  	_ =	shalt  }
tec
execute0_lowered:
.L_overlay_start_1:
0x0: {  	(tag) =	ssettag $0x1  }
0x1: {  	s5 =	rddreg [dreg:$0x0]  }
0x2: {  	s8 =	rddreg [dreg:$0x1]  }
0x3: {  	s1 =	rddreg [dreg:$0x2];
	s2 =	srdreg.scid  }
0x4: {  	s0 =	rddreg [dreg:$0x3];
	s3 =	simm.s32 $0x0;
	s11 =	simm.s32 $0x2000  }
0x5: {  	s12 =	simm.s32 $0x1;
	s13 =	simm.s32 $0x2;
	s14 =	simm.s32 $0x4000  }
0x6: {  	s15 =	simm.s32 $0x3;
	s16 =	simm.s32 $0x4440;
	s17 =	simm.s32 $0x4040  }
0x7: {  	s18 =	simm.s32 $0x40;
	s19 =	simm.s32 $0x0;
	s4 =	sand.u32 $0x1, s2  }
0x8: {  	[smem:$0x7FF] =	sst s3;
	s2 =	stileid.u32;
	s6 =	ssub.s32 $0x2, s4  }
0x9: {  	s9 =	sshll.u32 s2, $0xC;
	s4 =	sshll.u32 s4, $0x3;
	_ =	strace $0x80000047  }
0xa: {  	v0 =	vlaneseq.u32;
	s31 =	sshll.u32 s2, $0x6;
	s7 =	sshrl.u32 s6, $0x1;
	s30 =	sor.u32 s4, s9  }
0xb: {  	v1 =	vmul.u32 $0x10, v0;
	s10 =	ssub.s32 s6, s7;
	s4 =	sadd.s32 s5, s30;
	s9 =	sor.u32 $0x800, s30  }
0xc: {  	v2 =	vimm.s32 $0x1;
	s6 =	sadd.s32 s31, s1;
	s7 =	sadd.s32 s8, s30;
	s5 =	sadd.s32 s5, s9  }
0xd: {  	v3 =	vor.u32 $0x100, v1;
	v4 =	vor.u32 $0x200, v1;
	v5 =	vor.u32 $0x300, v1;
	s8 =	sadd.s32 s8, s9;
	s9 =	smax.u32 s10, $0x1;
	s10 =	simm.s32 $0x80  }
.LBB2_1:
0xe: {  	[tilespmem:s3], [sflag:$0x1] =	stream.strided.gather [hbm4b:s4+s18], $0x2000, s10, s18, $0x38;
	[tilespmem:$0x4880] =	vst v63  }
0xf: {  	_ = 	snop  }
0x10: {  	[tilespmem:s11], [sflag:$0x2] =	stream.strided.gather [hbm4b:s5+s18], $0x2000, s10, s18, $0x38;
	[tilespmem:$0x4880] =	vst v63  }
0x11: {  	_ =	swait.ge [sflag:s12], $0x2000  }
0x12: {  	[sflag:s12] =	ssyncset.done $0x0  }
0x13: {  	[sflag:s12] =	ssyncadd.s32 $0xFFFFE000  }
0x14: {  	v6 =	vld [tilespmem:s18+$0xFFFFFFD0]  }
0x15: {  	v7 =	vld [tilespmem:s18+$0x30]  }
0x16: {  	v8 =	vld [tilespmem:s18+$0x20]  }
0x17: {  	v9 =	vld [tilespmem:s18+$0x0]  }
0x18: {  	v10 =	vld [tilespmem:s18+$0xFFFFFFC0]  }
0x19: {  	v11 =	vld [tilespmem:s18+$0x10];
	_ =	sdelay $0x1  }
0x1a: {  	v12 =	vld [tilespmem:s18+$0xFFFFFFF0];
	v6 =	vtrunc.f32 v6  }
0x1b: {  	v13 =	vld [tilespmem:s18+$0xFFFFFFE0];
	v7 =	vtrunc.f32 v7;
	v14 =	vtrunc.f32 v8  }
0x1c: {  	v9 =	vtrunc.f32 v9;
	v10 =	vtrunc.f32 v10  }
0x1d: {  	s21 =	simm.s32 $0xC0;
	v11 =	vtrunc.f32 v11;
	v6 =	vcvt.f32.s32 v6  }
0x1e: {  	v15 =	vcvt.f32.s32 v7;
	v7 =	vcvt.f32.s32 v14;
	v14 =	vld [tilespmem:s21+$0xFFFFFFD0]  }
0x1f: {  	v18 =	vld [tilespmem:s21+$0x20];
	v8 =	vimm.s32 $0x0;
	v12 =	vtrunc.f32 v12;
	v9 =	vcvt.f32.s32 v9  }
0x20: {  	v20 =	vld [tilespmem:s21+$0x0];
	v13 =	vtrunc.f32 v13;
	v16 =	vshll.u32 v2, v6;
	v6 =	vshll.u32 v2, v7  }
0x21: {  	v7 =	vshll.u32 v2, v9;
	v9 =	vcvt.f32.s32 v11;
	v11 =	vcvt.f32.s32 v10  }
0x22: {  	v17 =	vld [tilespmem:s21+$0x30];
	v10 =	vcvt.f32.s32 v12;
	v21 =	vshll.u32 v2, v15;
	v15 =	vcvt.f32.s32 v13  }
0x23: {  	v16 =	vor.u32 v8, v16;
	v12 =	vtrunc.f32 v14;
	v14 =	vshll.u32 v2, v9  }
0x24: {  	v18 =	vtrunc.f32 v18;
	v13 =	vor.u32 v14, v16;
	v14 =	vld [tilespmem:s21+$0xFFFFFFC0]  }
0x25: {  	v20 =	vtrunc.f32 v20;
	v18 =	vcvt.f32.s32 v18;
	v15 =	vshll.u32 v2, v15;
	v9 =	vld [tilespmem:s21+$0x10]  }
0x26: {  	v10 =	vshll.u32 v2, v10;
	v22 =	vcvt.f32.s32 v12;
	v16 =	vor.u32 v8, v15;
	v15 =	vld [tilespmem:s21+$0xFFFFFFF0]  }
0x27: {  	v19 =	vshll.u32 v2, v11;
	v23 =	vor.u32 v8, v10;
	v12 =	vtrunc.f32 v17  }
0x28: {  	s20 =	simm.s32 $0x2;
	v10 =	vld [tilespmem:s21+$0xFFFFFFE0];
	s21 =	simm.s32 $0x140;
	v11 =	vor.u32 v21, v23;
	v12 =	vcvt.f32.s32 v12;
	v17 =	vshll.u32 v2, v22  }
.LBB2_2:
0x29: {  	v21 =	vld [tilespmem:s21+$0xFFFFFFD0];
	s20 =	sadd.s32 $0x2, s20;
	v14 =	vtrunc.f32 v14;
	v18 =	vshll.u32 v2, v18;
	v8 =	vor.u32 v8, v19  }
0x2a: {  	v20 =	vcvt.f32.s32 v20;
	v13 =	vor.u32 v13, v17;
	v16 =	vor.u32 v6, v16;
	v19 =	vld [tilespmem:s21+$0x30];
	p0 =	slt.u32 s20, $0x7E;
	v6 =	vmovc v18  }
0x2b: {  	v18 =	vtrunc.f32 v9;
	v8 =	vor.u32 v7, v8;
	v17 =	vld [tilespmem:s21+$0x20];
	v15 =	vtrunc.f32 v15  }
0x2c: {  	v7 =	vshll.u32 v2, v20;
	v18 =	vcvt.f32.s32 v18;
	v9 =	vld [tilespmem:s21+$0x10]  }
0x2d: {  	v23 =	vshll.u32 v2, v12;
	v22 =	vcvt.f32.s32 v14;
	v15 =	vcvt.f32.s32 v15;
	v20 =	vld [tilespmem:s21+$0x0]  }
0x2e: {  	v18 =	vshll.u32 v2, v18;
	v14 =	vld [tilespmem:s21+$0xFFFFFFC0];
	v12 =	vtrunc.f32 v21;
	v21 =	vtrunc.f32 v10  }
.Ltmp0:
0x2f: {  	v25 =	vshll.u32 v2, v15;
	v24 =	vcvt.f32.s32 v12;
	v10 =	vld [tilespmem:s21+$0xFFFFFFE0];
	v21 =	vcvt.f32.s32 v21;
	(pc) =	sbr.rel @p0 .LBB2_2-.Ltmp0, $4  }
0x30: {  	v13 =	vor.u32 v18, v13;
	v12 =	vtrunc.f32 v19;
	v17 =	vtrunc.f32 v17  }
0x31: {  	v11 =	vor.u32 v11, v25;
	v12 =	vcvt.f32.s32 v12;
	v15 =	vld [tilespmem:s21+$0xFFFFFFF0];
	v21 =	vshll.u32 v2, v21  }
0x32: {  	v19 =	vshll.u32 v2, v22;
	v18 =	vcvt.f32.s32 v17;
	v16 =	vor.u32 v16, v21  }
0x33: {  	v11 =	vor.u32 v23, v11;
	v17 =	vshll.u32 v2, v24;
	s21 =	sadd.s32 $0x80, s21;
	v20 =	vtrunc.f32 v20  }
0x34: {  	_ =	swait.ge [sflag:s13], $0x2000  }
0x35: {  	v14 =	vtrunc.f32 v14;
	v8 =	vor.u32 v8, v19;
	v19 =	vcvt.f32.s32 v20;
	[sflag:s13] =	ssyncset.done $0x0  }
0x36: {  	v13 =	vor.u32 v13, v17;
	v9 =	vtrunc.f32 v9;
	s20 =	simm.s32 $0x2070;
	v10 =	vtrunc.f32 v10;
	[sflag:s13] =	ssyncadd.s32 $0xFFFFE000  }
0x37: {  	v7 =	vor.u32 v7, v8;
	v8 =	vcvt.f32.s32 v9;
	v15 =	vtrunc.f32 v15;
	v9 =	vld [tilespmem:s20+$0xFFFFFFA0]  }
0x38: {  	v6 =	vor.u32 v6, v16;
	v14 =	vcvt.f32.s32 v14;
	v15 =	vcvt.f32.s32 v15;
	v17 =	vld [tilespmem:s20+$0x0]  }
0x39: {  	v10 =	vcvt.f32.s32 v10;
	v16 =	vshll.u32 v2, v19;
	v8 =	vshll.u32 v2, v8;
	v19 =	vld [tilespmem:s20+$0xFFFFFFF0]  }
0x3a: {  	v12 =	vshll.u32 v2, v12;
	v20 =	vld [tilespmem:s20+$0xFFFFFFD0];
	v13 =	vor.u32 v8, v13;
	v15 =	vshll.u32 v2, v15  }
0x3b: {  	v8 =	vshll.u32 v2, v10;
	v10 =	vor.u32 v11, v15;
	v11 =	vshll.u32 v2, v14;
	v14 =	vld [tilespmem:s20+$0xFFFFFF90]  }
0x3c: {  	v18 =	vshll.u32 v2, v18;
	v12 =	vor.u32 v12, v10;
	v10 =	vld [tilespmem:s20+$0xFFFFFFE0]  }
0x3d: {  	v6 =	vor.u32 v6, v8;
	v7 =	vor.u32 v7, v11;
	v11 =	vld [tilespmem:s20+$0xFFFFFFC0];
	v8 =	vtrunc.f32 v9  }
0x3e: {  	s21 =	simm.s32 $0x20F0;
	v15 =	vor.u32 v18, v6;
	v9 =	vcvt.f32.s32 v8;
	v8 =	vtrunc.f32 v17;
	v17 =	vld [tilespmem:s20+$0xFFFFFFB0]  }
0x3f: {  	v6 =	vtrunc.f32 v19;
	v18 =	vcvt.f32.s32 v8;
	v8 =	vor.u32 v16, v7;
	v16 =	vld [tilespmem:s21+$0xFFFFFFA0]  }
0x40: {  	v6 =	vcvt.f32.s32 v6;
	v7 =	vtrunc.f32 v20  }
0x41: {  	v9 =	vshll.u32 v2, v9;
	v14 =	vtrunc.f32 v14;
	v7 =	vcvt.f32.s32 v7  }
0x42: {  	v19 =	vld [tilespmem:s21+$0x0];
	v13 =	vor.u32 v13, v9;
	v9 =	vtrunc.f32 v10;
	v10 =	vtrunc.f32 v11  }
0x43: {  	v20 =	vld [tilespmem:s21+$0xFFFFFFF0];
	v6 =	vshll.u32 v2, v6;
	v11 =	vcvt.f32.s32 v14;
	v9 =	vcvt.f32.s32 v9  }
0x44: {  	v21 =	vshll.u32 v2, v18;
	v14 =	vtrunc.f32 v16;
	v16 =	vtrunc.f32 v17  }
0x45: {  	v22 =	vld [tilespmem:s21+$0xFFFFFFD0];
	v10 =	vcvt.f32.s32 v10;
	v17 =	vshll.u32 v2, v9;
	v16 =	vcvt.f32.s32 v16  }
0x46: {  	v7 =	vshll.u32 v2, v7;
	v23 =	vcvt.f32.s32 v14;
	v14 =	vor.u32 v17, v13;
	v13 =	vld [tilespmem:s21+$0xFFFFFF90]  }
0x47: {  	v18 =	vshll.u32 v2, v10;
	v9 =	vld [tilespmem:s21+$0xFFFFFFE0];
	v10 =	vtrunc.f32 v19;
	v16 =	vshll.u32 v2, v16  }
0x48: {  	v20 =	vtrunc.f32 v20;
	v10 =	vcvt.f32.s32 v10;
	v16 =	vor.u32 v15, v16;
	v15 =	vld [tilespmem:s21+$0xFFFFFFC0]  }
0x49: {  	v24 =	vor.u32 v12, v18;
	v17 =	vcvt.f32.s32 v20;
	v18 =	vshll.u32 v2, v11  }
0x4a: {  	s20 =	simm.s32 $0x82;
	v12 =	vld [tilespmem:s21+$0xFFFFFFB0];
	v20 =	vtrunc.f32 v22;
	v11 =	vor.u32 v21, v24;
	v19 =	vshll.u32 v2, v23;
	s21 =	simm.s32 $0x2170  }
.LBB2_4:
0x4b: {  	v21 =	vld [tilespmem:s21+$0xFFFFFFA0];
	s20 =	sadd.s32 $0x2, s20;
	v13 =	vtrunc.f32 v13;
	v17 =	vshll.u32 v2, v17;
	v8 =	vor.u32 v8, v18  }
0x4c: {  	v20 =	vcvt.f32.s32 v20;
	v14 =	vor.u32 v14, v19;
	v16 =	vor.u32 v6, v16;
	v18 =	vld [tilespmem:s21+$0x0];
	p0 =	slt.u32 s20, $0xFE;
	v6 =	vmovc v17  }
0x4d: {  	v19 =	vtrunc.f32 v9;
	v8 =	vor.u32 v7, v8;
	v17 =	vld [tilespmem:s21+$0xFFFFFFF0];
	v15 =	vtrunc.f32 v15  }
0x4e: {  	v19 =	vcvt.f32.s32 v19;
	v7 =	vshll.u32 v2, v20;
	v9 =	vld [tilespmem:s21+$0xFFFFFFE0]  }
0x4f: {  	v23 =	vshll.u32 v2, v10;
	v22 =	vcvt.f32.s32 v13;
	v15 =	vcvt.f32.s32 v15;
	v20 =	vld [tilespmem:s21+$0xFFFFFFD0]  }
0x50: {  	v19 =	vshll.u32 v2, v19;
	v13 =	vld [tilespmem:s21+$0xFFFFFF90];
	v10 =	vtrunc.f32 v21;
	v21 =	vtrunc.f32 v12  }
.Ltmp1:
0x51: {  	v25 =	vshll.u32 v2, v15;
	v24 =	vcvt.f32.s32 v10;
	v12 =	vld [tilespmem:s21+$0xFFFFFFB0];
	v21 =	vcvt.f32.s32 v21;
	(pc) =	sbr.rel @p0 .LBB2_4-.Ltmp1, $4  }
0x52: {  	v14 =	vor.u32 v19, v14;
	v10 =	vtrunc.f32 v18;
	v17 =	vtrunc.f32 v17  }
0x53: {  	v11 =	vor.u32 v11, v25;
	v10 =	vcvt.f32.s32 v10;
	v15 =	vld [tilespmem:s21+$0xFFFFFFC0];
	v19 =	vshll.u32 v2, v21  }
0x54: {  	v18 =	vshll.u32 v2, v22;
	v17 =	vcvt.f32.s32 v17;
	v16 =	vor.u32 v16, v19  }
0x55: {  	v11 =	vor.u32 v23, v11;
	s21 =	sadd.s32 $0x80, s21;
	v19 =	vshll.u32 v2, v24;
	v20 =	vtrunc.f32 v20  }
0x56: {  	v13 =	vtrunc.f32 v13;
	v17 =	vshll.u32 v2, v17  }
0x57: {  	v8 =	vor.u32 v8, v18;
	v18 =	vcvt.f32.s32 v20;
	v14 =	vor.u32 v14, v19  }
0x58: {  	v6 =	vor.u32 v6, v16;
	v9 =	vtrunc.f32 v9;
	v13 =	vcvt.f32.s32 v13  }
0x59: {  	v7 =	vor.u32 v7, v8;
	v8 =	vtrunc.f32 v12;
	v9 =	vcvt.f32.s32 v9  }
0x5a: {  	v15 =	vtrunc.f32 v15;
	v8 =	vcvt.f32.s32 v8;
	v12 =	vshll.u32 v2, v13  }
0x5b: {  	v13 =	vshll.u32 v2, v18;
	v15 =	vcvt.f32.s32 v15;
	v9 =	vshll.u32 v2, v9  }
0x5c: {  	v7 =	vor.u32 v7, v12;
	v8 =	vshll.u32 v2, v8;
	v9 =	vor.u32 v9, v14  }
0x5d: {  	v7 =	vor.u32 v13, v7;
	v12 =	vshll.u32 v2, v15;
	v6 =	vor.u32 v6, v8;
	[tilespmem:$0x4010] =	vst v9  }
0x5e: {  	[tilespmem:$0x4000] =	vst v7;
	v7 =	vshll.u32 v2, v10;
	v8 =	vor.u32 v11, v12;
	v6 =	vor.u32 v17, v6  }
0x5f: {  	v7 =	vor.u32 v7, v8;
	[tilespmem:$0x4020] =	vst v6  }
0x60: {  	[tilespmem:$0x4030] =	vst v7  }
0x61: {  	[spmem:s6] =	stream.linear.scatter [tilespmem:s14], [sflag:$0x3], $0x40, $0x38;
	[tilespmem:$0x4880] =	vst v63  }
0x62: {  	_ =	swait.ge [sflag:s15], $0x40  }
0x63: {  	[sflag:s15] =	ssyncset.done $0x0  }
0x64: {  	[sflag:s15] =	ssyncadd.s32 $0xFFFFFFC0  }
0x65: {  	[bflag:$0x0] =	sbarrier.arrive $0xFFFF  }
0x66: {  	[tilespmem:s16], [sflag:$0x3] =	stream.linear.gather [spmem:s1], $0x400, $0x38;
	[tilespmem:$0x4880] =	vst v63  }
0x67: {  	_ =	swait.ge [sflag:s15], $0x400  }
0x68: {  	[sflag:s15] =	ssyncset.done $0x0  }
0x69: {  	[sflag:s15] =	ssyncadd.s32 $0xFFFFFC00  }
0x6a: {  	v6 =	vld [tilespmem:$0x4440]  }
0x6b: {  	v7 =	vld [tilespmem:$0x4480]  }
0x6c: {  	v8 =	vld [tilespmem:$0x44C0]  }
0x6d: {  	v9 =	vld [tilespmem:$0x4500]  }
0x6e: {  	v10 =	vld [tilespmem:$0x4540]  }
0x6f: {  	v11 =	vld [tilespmem:$0x4580]  }
0x70: {  	v12 =	vld [tilespmem:$0x45C0]  }
0x71: {  	v13 =	vld [tilespmem:$0x4600]  }
0x72: {  	v14 =	vld [tilespmem:$0x4640]  }
0x73: {  	v15 =	vld [tilespmem:$0x4680]  }
0x74: {  	v16 =	vld [tilespmem:$0x46C0]  }
0x75: {  	v17 =	vld [tilespmem:$0x4700]  }
0x76: {  	v18 =	vld [tilespmem:$0x4740]  }
0x77: {  	v19 =	vld [tilespmem:$0x4780]  }
0x78: {  	v20 =	vld [tilespmem:$0x47C0]  }
0x79: {  	v21 =	vld [tilespmem:$0x4800]  }
0x7a: {  	v22 =	vld [tilespmem:$0x4450]  }
0x7b: {  	v23 =	vld [tilespmem:$0x4490]  }
0x7c: {  	v24 =	vld [tilespmem:$0x44D0]  }
0x7d: {  	v25 =	vld [tilespmem:$0x4510]  }
0x7e: {  	v26 =	vld [tilespmem:$0x4550]  }
0x7f: {  	v27 =	vld [tilespmem:$0x4590]  }
0x80: {  	v28 =	vld [tilespmem:$0x45D0]  }
0x81: {  	v29 =	vld [tilespmem:$0x4610]  }
0x82: {  	v30 =	vld [tilespmem:$0x4650]  }
0x83: {  	v31 =	vld [tilespmem:$0x4690]  }
0x84: {  	v32 =	vld [tilespmem:$0x46D0]  }
0x85: {  	v33 =	vld [tilespmem:$0x4710]  }
0x86: {  	v34 =	vld [tilespmem:$0x4750]  }
0x87: {  	v35 =	vld [tilespmem:$0x4790]  }
0x88: {  	v36 =	vld [tilespmem:$0x47D0]  }
0x89: {  	v37 =	vld [tilespmem:$0x4810]  }
0x8a: {  	v38 =	vld [tilespmem:$0x4460]  }
0x8b: {  	v39 =	vld [tilespmem:$0x44A0]  }
0x8c: {  	v40 =	vld [tilespmem:$0x44E0]  }
0x8d: {  	v41 =	vld [tilespmem:$0x4520]  }
0x8e: {  	v42 =	vld [tilespmem:$0x4560]  }
0x8f: {  	v43 =	vld [tilespmem:$0x45A0]  }
0x90: {  	v44 =	vld [tilespmem:$0x45E0]  }
0x91: {  	v57 =	vld [tilespmem:$0x4470];
	v6 =	vor.u32 v6, v7  }
0x92: {  	v58 =	vld [tilespmem:$0x4570];
	v6 =	vor.u32 v8, v6  }
0x93: {  	v59 =	vld [tilespmem:$0x45B0];
	v6 =	vor.u32 v9, v6  }
0x94: {  	v60 =	vld [tilespmem:$0x45F0];
	v6 =	vor.u32 v10, v6  }
0x95: {  	v61 =	vld [tilespmem:$0x46B0];
	v6 =	vor.u32 v11, v6  }
0x96: {  	v7 =	vld [tilespmem:$0x4620];
	v6 =	vor.u32 v12, v6  }
0x97: {  	v8 =	vld [tilespmem:$0x4660];
	v6 =	vor.u32 v13, v6  }
0x98: {  	v9 =	vld [tilespmem:$0x46A0];
	v6 =	vor.u32 v14, v6  }
0x99: {  	v10 =	vld [tilespmem:$0x46E0];
	v6 =	vor.u32 v15, v6  }
0x9a: {  	v11 =	vld [tilespmem:$0x4720];
	v6 =	vor.u32 v16, v6  }
0x9b: {  	v16 =	vor.u32 v22, v23;
	v6 =	vor.u32 v17, v6;
	v17 =	vld [tilespmem:$0x44B0]  }
0x9c: {  	v16 =	vor.u32 v24, v16;
	v6 =	vor.u32 v18, v6;
	v18 =	vld [tilespmem:$0x44F0]  }
0x9d: {  	v16 =	vor.u32 v25, v16;
	v6 =	vor.u32 v19, v6;
	v19 =	vld [tilespmem:$0x4530]  }
0x9e: {  	v12 =	vld [tilespmem:$0x4760];
	v16 =	vor.u32 v26, v16;
	v6 =	vor.u32 v20, v6;
	v20 =	vor.u32 v38, v39  }
0x9f: {  	v13 =	vld [tilespmem:$0x47A0];
	v16 =	vor.u32 v27, v16;
	v6 =	vor.u32 v21, v6;
	v20 =	vor.u32 v40, v20  }
0xa0: {  	v14 =	vld [tilespmem:$0x47E0];
	v16 =	vor.u32 v28, v16;
	v20 =	vor.u32 v41, v20;
	v17 =	vor.u32 v57, v17  }
0xa1: {  	v16 =	vor.u32 v29, v16;
	v20 =	vor.u32 v42, v20;
	v17 =	vor.u32 v18, v17;
	v18 =	vld [tilespmem:$0x4630]  }
0xa2: {  	v16 =	vor.u32 v30, v16;
	v20 =	vor.u32 v43, v20;
	v17 =	vor.u32 v19, v17;
	v19 =	vld [tilespmem:$0x4670]  }
0xa3: {  	v15 =	vld [tilespmem:$0x4820];
	v16 =	vor.u32 v31, v16;
	v20 =	vor.u32 v44, v20;
	v17 =	vor.u32 v58, v17  }
0xa4: {  	v16 =	vor.u32 v32, v16;
	v7 =	vor.u32 v7, v20;
	v17 =	vor.u32 v59, v17;
	v20 =	vld [tilespmem:$0x46F0]  }
0xa5: {  	v16 =	vor.u32 v33, v16;
	v7 =	vor.u32 v8, v7;
	v8 =	vor.u32 v60, v17;
	v17 =	vld [tilespmem:$0x4730]  }
0xa6: {  	v16 =	vor.u32 v34, v16;
	v7 =	vor.u32 v9, v7;
	v8 =	vor.u32 v18, v8;
	v9 =	vld [tilespmem:$0x4770]  }
0xa7: {  	s20 =	simm.s32 $0x1;
	v16 =	vor.u32 v35, v16;
	v7 =	vor.u32 v10, v7;
	v8 =	vor.u32 v19, v8;
	v10 =	vld [tilespmem:$0x47B0]  }
0xa8: {  	v18 =	vmov s20;
	v7 =	vor.u32 v11, v7;
	v8 =	vor.u32 v61, v8;
	v11 =	vld [tilespmem:$0x47F0]  }
0xa9: {  	v16 =	vor.u32 v36, v16;
	v7 =	vor.u32 v12, v7;
	v8 =	vor.u32 v20, v8;
	v12 =	vld [tilespmem:$0x4830]  }
0xaa: {  	s28 =	simm.s32 $0x3;
	v7 =	vor.u32 v13, v7;
	v8 =	vor.u32 v17, v8;
	v13 =	vand.u32 $0xFFFFFFFD, v18  }
0xab: {  	v8 =	vor.u32 v9, v8;
	v9 =	vbroadcast v13, $0x0;
	v13 =	vmov s28  }
0xac: {  	[tilespmem:$0x4000] =	vst v6;
	v16 =	vor.u32 v37, v16;
	v6 =	vor.u32 v14, v7;
	v7 =	vor.u32 v10, v8  }
0xad: {  	s21 =	simm.s32 $0x2;
	[tilespmem:$0x4010] =	vst v16;
	v6 =	vor.u32 v15, v6;
	v7 =	vor.u32 v11, v7  }
0xae: {  	v8 =	vmov s21;
	[tilespmem:$0x4020] =	vst v6;
	v6 =	vor.u32 v12, v7  }
0xaf: {  	s29 =	simm.s32 $0x5;
	s31 =	simm.s32 $0x7;
	v8 =	vand.u32 $0xFFFFFFFE, v8;
	[tilespmem:$0x4030] =	vst v6  }
0xb0: {  	v11 =	vmov s31;
	v7 =	vbroadcast v8, $0x0;
	v8 =	vmov s29;
	v6 =	vld.idx.msk [tilespmem:v13+s14+$0x0], $0xffff  }
0xb1: {  	s30 =	simm.s32 $0x0;
	v8 =	vand.u32 $0xFFFFFFFD, v8;
	v9 =	vld.idx.msk [tilespmem:v9+s14+$0x0], $0xffff  }
0xb2: {  	s22 =	simm.s32 $0x6;
	v10 =	vmov s30;
	v8 =	vbroadcast v8, $0x0  }
0xb3: {  	v10 =	vand.u32 $0xFFFFFFFC, v10;
	v12 =	vmov s22  }
0xb4: {  	v10 =	vbroadcast v10, $0x0;
	v12 =	vand.u32 $0xFFFFFFFE, v12  }
0xb5: {  	v12 =	vbroadcast v12, $0x0;
	v11 =	vld.idx.msk [tilespmem:v11+s14+$0x0], $0xffff;
	v6 =	vshrl.u32 v6, v0  }
0xb6: {  	v7 =	vld.idx.msk [tilespmem:v7+s14+$0x0], $0xffff;
	v9 =	vshrl.u32 v9, v0;
	v6 =	vand.u32 $0x1, v6  }
0xb7: {  	v9 =	vand.u32 $0x1, v9;
	(xrf0) =	vadd.scan.msk.s32 $0xffff, v6  }
0xb8: {  	s26 =	simm.s32 $0xB;
	v8 =	vld.idx.msk [tilespmem:v8+s14+$0x0], $0xffff;
	(xrf0) =	vadd.scan.msk.s32 $0xffff, v9  }
0xb9: {  	s23 =	simm.s32 $0x9;
	s24 =	simm.s32 $0x4;
	s25 =	simm.s32 $0xA;
	v16 =	vmov s26  }
0xba: {  	v14 =	vmov s25;
	v15 =	vmov s24;
	v13 =	vmov s23;
	v10 =	vld.idx.msk [tilespmem:v10+s14+$0x0], $0xffff  }
0xbb: {  	v13 =	vand.u32 $0xFFFFFFFD, v13;
	v12 =	vld.idx.msk [tilespmem:v12+s14+$0x0], $0xffff;
	v11 =	vshrl.u32 v11, v0;
	v7 =	vshrl.u32 v7, v0  }
0xbc: {  	v15 =	vand.u32 $0xFFFFFFFC, v15;
	v13 =	vbroadcast v13, $0x0;
	v7 =	vand.u32 $0x1, v7  }
0xbd: {  	v15 =	vbroadcast v15, $0x0;
	v18 =	vand.u32 $0x1, v11;
	v8 =	vshrl.u32 v8, v0;
	v17, _, _ =	vpop (xrf0);
	(xrf0) =	vadd.scan.msk.s32 $0xffff, v7  }
0xbe: {  	v14 =	vand.u32 $0xFFFFFFFE, v14;
	v6 =	vsub.s32 v17, v6;
	v11, _, _ =	vpop (xrf0);
	v17 =	vand.u32 $0x1, v8;
	(xrf0) =	vadd.scan.msk.s32 $0xffff, v18  }
0xbf: {  	s28 =	simm.s32 $0x8;
	v19 =	vbroadcast v14, $0x0;
	v8 =	vsub.s32 v11, v9;
	(xrf0) =	vadd.scan.msk.s32 $0xffff, v17;
	v9 =	vshrl.u32 v10, v0  }
0xc0: {  	s29 =	simm.s32 $0xD;
	v16 =	vld.idx.msk [tilespmem:v16+s14+$0x0], $0xffff;
	v20 =	vcvt.s32.f32 v8;
	v8 =	vshrl.u32 v12, v0;
	v12 =	vmov s28  }
0xc1: {  	s30 =	simm.s32 $0xE;
	v10 =	vmov s29;
	v62 =	vand.u32 $0x1, v9;
	v12 =	vand.u32 $0xFFFFFFFC, v12  }
0xc2: {  	v11 =	vmov s30;
	v9 =	vld.idx.msk [tilespmem:v13+s14+$0x0], $0xffff;
	v10 =	vand.u32 $0xFFFFFFFD, v10;
	(xrf0) =	vadd.scan.msk.s32 $0xffff, v62  }
0xc3: {  	s31 =	simm.s32 $0xF;
	v6 =	vcvt.s32.f32 v6;
	v11 =	vand.u32 $0xFFFFFFFE, v11;
	v13 =	vld.idx.msk [tilespmem:v15+s14+$0x0], $0xffff;
	v14 =	vbroadcast v10, $0x0;
	v15, _, _ =	vpop (xrf0)  }
0xc4: {  	v63 =	vmov s31;
	v10 =	vbroadcast v11, $0x0;
	v11 =	vbroadcast v12, $0x0;
	v12, _, _ =	vpop (xrf0)  }
0xc5: {  	v8 =	vand.u32 $0x1, v8;
	v7 =	vsub.s32 v15, v7;
	v15 =	vshrl.u32 v16, v0;
	v16, _, _ =	vpop (xrf0)  }
0xc6: {  	s20 =	simm.s32 $0x4060;
	v12 =	vsub.s32 v12, v18;
	v18 =	vcvt.s32.f32 v7;
	v17 =	vsub.s32 v16, v17;
	v16 =	vld.idx.msk [tilespmem:v19+s14+$0x0], $0xffff  }
0xc7: {  	[tilespmem:s20+$0xFFFFFFF0] =	vst v20;
	(xrf0) =	vadd.scan.msk.s32 $0xffff, v8;
	v9 =	vshrl.u32 v9, v0;
	v7 =	vand.u32 $0x1, v15  }
0xc8: {  	v9 =	vand.u32 $0x1, v9;
	(xrf0) =	vadd.scan.msk.s32 $0xffff, v7;
	v12 =	vcvt.s32.f32 v12;
	[tilespmem:s20+$0x0] =	vst v18;
	v19, _, _ =	vpop (xrf0)  }
0xc9: {  	s21 =	simm.s32 $0x40A0;
	s22 =	simm.s32 $0xC;
	s23 =	simm.s32 $0x10;
	v15 =	vld.idx.msk [tilespmem:v63+s14+$0x0], $0xffff;
	(xrf0) =	vadd.scan.msk.s32 $0xffff, v9;
	v18 =	vshrl.u32 v13, v0;
	v13 =	vcvt.s32.f32 v17;
	v17 =	vsub.s32 v19, v62  }
.LBB2_6:
0xca: {  	s24 =	sadd.s32 $0x1, s23  }
0xcb: {  	s25 =	sadd.s32 $0x2, s23;
	v19 =	vld.idx.msk [tilespmem:v14+s14+$0x0], $0xffff;
	v20 =	vshrl.u32 v16, v0;
	v21 =	vand.u32 $0x1, v18;
	v14 =	vcvt.s32.f32 v17;
	[tilespmem:s20+$0x10] =	vst v6;
	v6 =	vmovc v12;
	s26 =	smov.u32 s23;
	s28 =	sadd.s32 $0x4, s23  }
0xcc: {  	p0 =	slt.u32 s23, $0x3C;
	v17 =	vmov s22;
	v12 =	vmov s24;
	v16 =	vmov s25;
	v18 =	vld.idx.msk [tilespmem:v11+s14+$0x0], $0xffff;
	(xrf0) =	vadd.scan.msk.s32 $0xffff, v21;
	s22 =	smov.u32 s26  }
0xcd: {  	v17 =	vand.u32 $0xFFFFFFFC, v17;
	v11 =	vand.u32 $0xFFFFFFFD, v12;
	v24 =	vand.u32 $0xFFFFFFFE, v16;
	s23 =	sadd.s32 $0x3, s22;
	v16 =	vld.idx.msk [tilespmem:v10+s14+$0x0], $0xffff;
	v22, _, _ =	vpop (xrf0);
	[tilespmem:s20+$0xFFFFFFE0] =	vst v14;
	s20 =	smov.u32 s21  }
0xce: {  	v14 =	vbroadcast v11, $0x0;
	v10 =	vbroadcast v24, $0x0;
	v23 =	vmov s23;
	[tilespmem:s21+$0xFFFFFFF0] =	vst v13  }
.Ltmp2:
0xcf: {  	v11 =	vbroadcast v17, $0x0;
	v13 =	vsub.s32 v22, v8;
	v8 =	vand.u32 $0x1, v20;
	v12, _, _ =	vpop (xrf0);
	(pc) =	sbr.rel @p0 .LBB2_6-.Ltmp2, $4  }
0xd0: {  	v15 =	vshrl.u32 v15, v0;
	v13 =	vcvt.s32.f32 v13;
	v12 =	vsub.s32 v12, v7;
	v17, _, _ =	vpop (xrf0);
	(xrf0) =	vadd.scan.msk.s32 $0xffff, v8  }
0xd1: {  	v20 =	vshrl.u32 v19, v0;
	v7 =	vand.u32 $0x1, v15;
	v17 =	vsub.s32 v17, v9  }
0xd2: {  	v9 =	vand.u32 $0x1, v20;
	v12 =	vcvt.s32.f32 v12;
	(xrf0) =	vadd.scan.msk.s32 $0xffff, v7;
	[tilespmem:s21+$0x0] =	vst v13;
	v19, _, _ =	vpop (xrf0)  }
0xd3: {  	s23 =	smov.u32 s28;
	v18 =	vshrl.u32 v18, v0;
	v13 =	vcvt.s32.f32 v17;
	s21 =	sadd.s32 $0x40, s21;
	v15 =	vld.idx.msk [tilespmem:v23+s14+$0x0], $0xffff;
	(xrf0) =	vadd.scan.msk.s32 $0xffff, v9;
	v17 =	vsub.s32 v19, v21  }
0xd4: {  	_ =	sdelay $0x1  }
0xd5: {  	v19 =	vmov s22  }
0xd6: {  	v19 =	vand.u32 $0xFFFFFFFC, v19  }
0xd7: {  	v14 =	vld.idx.msk [tilespmem:v14+s14+$0x0], $0xffff;
	v19 =	vbroadcast v19, $0x0  }
0xd8: {  	v10 =	vld.idx.msk [tilespmem:v10+s14+$0x0], $0xffff  }
0xd9: {  	v11 =	vld.idx.msk [tilespmem:v11+s14+$0x0], $0xffff;
	v18 =	vand.u32 $0x1, v18  }
0xda: {  	v16 =	vshrl.u32 v16, v0;
	(xrf0) =	vadd.scan.msk.s32 $0xffff, v18  }
0xdb: {  	v16 =	vand.u32 $0x1, v16  }
0xdc: {  	(xrf0) =	vadd.scan.msk.s32 $0xffff, v16;
	v15 =	vshrl.u32 v15, v0  }
0xdd: {  	v20, _, _ =	vpop (xrf0);
	v14 =	vshrl.u32 v14, v0;
	v15 =	vand.u32 $0x1, v15;
	v10 =	vshrl.u32 v10, v0;
	v19 =	vld.idx.msk [tilespmem:v19+s14+$0x0], $0xffff  }
0xde: {  	v21, _, _ =	vpop (xrf0);
	v11 =	vshrl.u32 v11, v0;
	v14 =	vand.u32 $0x1, v14;
	(xrf0) =	vadd.scan.msk.s32 $0xffff, v15  }
0xdf: {  	v17 =	vcvt.s32.f32 v17;
	v22, _, _ =	vpop (xrf0);
	v11 =	vand.u32 $0x1, v11;
	(xrf0) =	vadd.scan.msk.s32 $0xffff, v14  }
0xe0: {  	[tilespmem:s20+$0x10] =	vst v6;
	v6 =	vsub.s32 v20, v8;
	v8 =	vand.u32 $0x1, v10;
	(xrf0) =	vadd.scan.msk.s32 $0xffff, v11;
	v10, _, _ =	vpop (xrf0)  }
0xe1: {  	v10 =	vsub.s32 v10, v18  }
0xe2: {  	[tilespmem:s20+$0xFFFFFFE0] =	vst v17;
	v6 =	vcvt.s32.f32 v6;
	v17 =	vshrl.u32 v19, v0;
	v19, _, _ =	vpop (xrf0)  }
0xe3: {  	[tilespmem:s21+$0x10] =	vst v12;
	v12 =	vsub.s32 v19, v16  }
0xe4: {  	v9 =	vsub.s32 v22, v9;
	[tilespmem:s21+$0x0] =	vst v6;
	(xrf0) =	vadd.scan.msk.s32 $0xffff, v8;
	v6 =	vcvt.s32.f32 v10;
	v10, _, _ =	vpop (xrf0)  }
0xe5: {  	[tilespmem:s21+$0xFFFFFFF0] =	vst v13;
	v9 =	vcvt.s32.f32 v9;
	v16, _, _ =	vpop (xrf0)  }
0xe6: {  	s30 =	sadd.s32 $0x40, s21;
	[tilespmem:s21+$0xFFFFFFE0] =	vst v6;
	v6 =	vcvt.s32.f32 v12;
	v12, _, _ =	vpop (xrf0)  }
0xe7: {  	[tilespmem:s30+$0xFFFFFFF0] =	vst v9;
	v13 =	vand.u32 $0x1, v17;
	v9 =	vsub.s32 v12, v11  }
0xe8: {  	v7 =	vsub.s32 v21, v7;
	(xrf0) =	vadd.scan.msk.s32 $0xffff, v13  }
0xe9: {  	v7 =	vcvt.s32.f32 v7  }
0xea: {  	[tilespmem:s30+$0x0] =	vst v6;
	v6 =	vcvt.s32.f32 v9;
	v9, _, _ =	vpop (xrf0)  }
0xeb: {  	[tilespmem:s30+$0x10] =	vst v7;
	v7 =	vsub.s32 v9, v8  }
0xec: {  	v11 =	vsub.s32 v16, v14  }
0xed: {  	v11 =	vcvt.s32.f32 v11  }
0xee: {  	s31 =	sadd.s32 $0x40, s30;
	[tilespmem:s30+$0xFFFFFFE0] =	vst v6;
	v8 =	vsub.s32 v10, v15;
	v6 =	vcvt.s32.f32 v7;
	v7, _, _ =	vpop (xrf0)  }
0xef: {  	[tilespmem:s31+$0xFFFFFFF0] =	vst v11;
	v8 =	vcvt.s32.f32 v8;
	v7 =	vsub.s32 v7, v13  }
0xf0: {  	[tilespmem:s31+$0x0] =	vst v6;
	v6 =	vcvt.s32.f32 v7  }
0xf1: {  	[tilespmem:s31+$0x10] =	vst v8  }
0xf2: {  	s20 =	simm.s32 $0x40;
	[tilespmem:s31+$0xFFFFFFE0] =	vst v6  }
0xf3: {  	v6 =	vld [tilespmem:s20+$0x0]  }
0xf4: {  	v7 =	vld [tilespmem:s20+$0xFFFFFFC0];
	_ =	sdelay $0x1  }
0xf5: {  	v8 =	vld [tilespmem:s20+$0xFFFFFFD0]  }
0xf6: {  	v9 =	vld [tilespmem:s20+$0xFFFFFFE0]  }
0xf7: {  	v10 =	vld [tilespmem:s20+$0x10];
	v6 =	vtrunc.f32 v6  }
0xf8: {  	v7 =	vtrunc.f32 v7;
	v6 =	vcvt.f32.s32 v6  }
0xf9: {  	v11 =	vld [tilespmem:s20+$0xFFFFFFF0];
	v7 =	vcvt.f32.s32 v7  }
0xfa: {  	v6 =	vadd.s32 v1, v6  }
0xfb: {  	p3 =	por $0x1, $0x1;
	v8 =	vtrunc.f32 v8;
	v7 =	vadd.s32 v1, v7  }
.Ltmp3:
0xfc: {  	v9 =	vtrunc.f32 v9;
	v10 =	vtrunc.f32 v10;
	(pc) =	sbr.rel @!p3 .LBB2_8-.Ltmp3, $4  }
0xfd: {  	v8 =	vcvt.f32.s32 v8;
	v9 =	vcvt.f32.s32 v9  }
0xfe: {  	v16 =	vld [tilespmem:s20+$0x20];
	v12 =	vcvt.f32.s32 v10;
	v10 =	vtrunc.f32 v11  }
0xff: {  	p0 =	por $0x0, $0x0;
	v10 =	vcvt.f32.s32 v10;
	v14 =	vld.idx.msk [tilespmem:v6+s17+$0x0], $0xffff  }
0x100: {  	p1 =	por $0x0, $0x0;
	p2 =	por $0x0, $0x0;
	s21 =	simm.s32 $0xC0;
	v8 =	vadd.s32 v3, v8;
	v18 =	vadd.s32 v3, v12;
	v6 =	vadd.s32 v4, v9;
	v13 =	vld.idx.msk [tilespmem:v7+s17+$0x0], $0xffff  }
0x101: {  	v7 =	vld [tilespmem:s21+$0x0]  }
0x102: {  	v9 =	vld [tilespmem:s21+$0xFFFFFFC0]  }
0x103: {  	v11 =	vld [tilespmem:s21+$0xFFFFFFD0]  }
0x104: {  	v15 =	vld [tilespmem:s20+$0x30];
	v12 =	vtrunc.f32 v16  }
0x105: {  	v16 =	vld [tilespmem:s21+$0xFFFFFFE0];
	[tilespmem:s20+$0x0] =	vst v14;
	v12 =	vcvt.f32.s32 v12  }
0x106: {  	v14 =	vld.idx.msk [tilespmem:v18+s17+$0x0], $0xffff;
	v7 =	vtrunc.f32 v7  }
0x107: {  	v17 =	vld [tilespmem:s21+$0x10];
	v9 =	vtrunc.f32 v9;
	v12 =	vadd.s32 v4, v12;
	v7 =	vcvt.f32.s32 v7  }
0x108: {  	v9 =	vcvt.f32.s32 v9  }
0x109: {  	[tilespmem:s20+$0xFFFFFFC0] =	vst v13;
	v18 =	vadd.s32 v1, v7;
	v7 =	vtrunc.f32 v11;
	v11 =	vld [tilespmem:s21+$0xFFFFFFF0]  }
0x10a: {  	p3 =	por $0x1, $0x1;
	v13 =	vld.idx.msk [tilespmem:v8+s17+$0x0], $0xffff;
	v9 =	vadd.s32 v1, v9;
	v8 =	vcvt.f32.s32 v7  }
.Ltmp4:
0x10b: {  	[tilespmem:s20+$0x10] =	vst v14;
	v7 =	vtrunc.f32 v15;
	v14 =	vtrunc.f32 v16;
	(pc) =	sbr.rel @!p3 .LBB2_10-.Ltmp4, $4  }
0x10c: {  	v16 =	vtrunc.f32 v17;
	v12 =	vld.idx.msk [tilespmem:v12+s17+$0x0], $0xffff;
	v15 =	vcvt.f32.s32 v7  }
0x10d: {  	v7 =	vadd.s32 v5, v10;
	v10 =	vcvt.f32.s32 v14;
	v17 =	vcvt.f32.s32 v16;
	v16 =	vld [tilespmem:s21+$0x20]  }
0x10e: {  	v8 =	vadd.s32 v3, v8;
	v15 =	vadd.s32 v5, v15;
	v14 =	vld.idx.msk [tilespmem:v18+s17+$0x0], $0xffff;
	v11 =	vtrunc.f32 v11  }
0x10f: {  	s22 =	simm.s32 $0x140;
	p0 =	por $0x1, $0x1;
	[tilespmem:s20+$0xFFFFFFD0] =	vst v13;
	v20 =	vadd.s32 v4, v10;
	v13 =	vld.idx.msk [tilespmem:v9+s17+$0x0], $0xffff;
	v18 =	vadd.s32 v3, v17;
	v10 =	vcvt.f32.s32 v11  }
0x110: {  	_ = 	snop  }
0x111: {  	v9 =	vld [tilespmem:s22+$0x0]  }
0x112: {  	v11 =	vld [tilespmem:s22+$0xFFFFFFC0]  }
0x113: {  	v17 =	vld [tilespmem:s22+$0xFFFFFFD0];
	[tilespmem:s21+$0x0] =	vst v14  }
0x114: {  	v14 =	vtrunc.f32 v16;
	v16 =	vld.idx.msk [tilespmem:v18+s17+$0x0], $0xffff  }
0x115: {  	v14 =	vcvt.f32.s32 v14;
	v18 =	vld [tilespmem:s21+$0x30]  }
0x116: {  	v19 =	vld [tilespmem:s22+$0xFFFFFFE0];
	v9 =	vtrunc.f32 v9  }
0x117: {  	[tilespmem:s20+$0x20] =	vst v12;
	v11 =	vtrunc.f32 v11;
	v9 =	vcvt.f32.s32 v9;
	v12 =	vadd.s32 v4, v14;
	v14 =	vld [tilespmem:s22+$0x10]  }
0x118: {  	v15 =	vld.idx.msk [tilespmem:v15+s17+$0x0], $0xffff;
	v11 =	vcvt.f32.s32 v11  }
0x119: {  	[tilespmem:s21+$0xFFFFFFC0] =	vst v13;
	v13 =	vld [tilespmem:s22+$0xFFFFFFF0];
	v21 =	vadd.s32 v1, v9  }
0x11a: {  	p3 =	por $0x1, $0x1;
	v9 =	vtrunc.f32 v17;
	v17 =	vld.idx.msk [tilespmem:v8+s17+$0x0], $0xffff;
	v22 =	vadd.s32 v1, v11;
	v11 =	vtrunc.f32 v18  }
.Ltmp5:
0x11b: {  	v8 =	vcvt.f32.s32 v9;
	[tilespmem:s21+$0x10] =	vst v16;
	v9 =	vld.idx.msk [tilespmem:v6+s17+$0x0], $0xffff;
	v16 =	vcvt.f32.s32 v11;
	(pc) =	sbr.rel @!p3 .LBB2_12-.Ltmp5, $4  }
0x11c: {  	v6 =	vtrunc.f32 v19;
	v12 =	vld.idx.msk [tilespmem:v12+s17+$0x0], $0xffff;
	v18 =	vtrunc.f32 v14  }
0x11d: {  	[tilespmem:s20+$0x30] =	vst v15;
	v6 =	vcvt.f32.s32 v6;
	v18 =	vcvt.f32.s32 v18;
	v15 =	vadd.s32 v5, v16;
	v16 =	vld [tilespmem:s22+$0x20]  }
0x11e: {  	v11 =	vadd.s32 v5, v10;
	v10 =	vtrunc.f32 v13;
	v8 =	vadd.s32 v3, v8;
	v14 =	vld.idx.msk [tilespmem:v21+s17+$0x0], $0xffff  }
0x11f: {  	s24 =	simm.s32 $0x1C0;
	p1 =	por $0x1, $0x1;
	v10 =	vcvt.f32.s32 v10;
	v6 =	vadd.s32 v4, v6;
	[tilespmem:s21+$0xFFFFFFD0] =	vst v17;
	v13 =	vld.idx.msk [tilespmem:v22+s17+$0x0], $0xffff;
	v18 =	vadd.s32 v3, v18  }
0x120: {  	v17 =	vld [tilespmem:s24+$0x0]  }
0x121: {  	v19 =	vld [tilespmem:s24+$0xFFFFFFC0]  }
0x122: {  	v21 =	vld [tilespmem:s24+$0xFFFFFFE0];
	[tilespmem:s21+$0x20] =	vst v12  }
0x123: {  	v12 =	vld [tilespmem:s24+$0xFFFFFFD0];
	[tilespmem:s22+$0x0] =	vst v14  }
0x124: {  	v14 =	vtrunc.f32 v16;
	v16 =	vld.idx.msk [tilespmem:v18+s17+$0x0], $0xffff  }
0x125: {  	v14 =	vcvt.f32.s32 v14;
	v18 =	vld [tilespmem:s22+$0x30]  }
0x126: {  	[tilespmem:s22+$0xFFFFFFC0] =	vst v13;
	v17 =	vtrunc.f32 v17;
	v13 =	vtrunc.f32 v19;
	v19 =	vld [tilespmem:s24+$0x10]  }
0x127: {  	v24 =	vld [tilespmem:s24+$0xFFFFFFF0];
	v17 =	vcvt.f32.s32 v17;
	v14 =	vadd.s32 v4, v14  }
0x128: {  	v15 =	vld.idx.msk [tilespmem:v15+s17+$0x0], $0xffff;
	v13 =	vcvt.f32.s32 v13  }
0x129: {  	[tilespmem:s20+$0xFFFFFFE0] =	vst v9;
	v23 =	vld.idx.msk [tilespmem:v8+s17+$0x0], $0xffff;
	v8 =	vtrunc.f32 v12;
	v22 =	vadd.s32 v1, v17  }
0x12a: {  	p3 =	por $0x1, $0x1;
	v13 =	vadd.s32 v1, v13;
	v17 =	vld.idx.msk [tilespmem:v20+s17+$0x0], $0xffff;
	[tilespmem:s22+$0x10] =	vst v16;
	v16 =	vtrunc.f32 v18;
	v18 =	vtrunc.f32 v21  }
.Ltmp6:
0x12b: {  	v16 =	vcvt.f32.s32 v16;
	v21 =	vtrunc.f32 v19;
	v19 =	vld.idx.msk [tilespmem:v7+s17+$0x0], $0xffff;
	(pc) =	sbr.rel @!p3 .LBB2_14-.Ltmp6, $4  }
0x12c: {  	v8 =	vcvt.f32.s32 v8;
	v20 =	vadd.s32 v5, v10;
	v12 =	vld.idx.msk [tilespmem:v14+s17+$0x0], $0xffff  }
0x12d: {  	[tilespmem:s21+$0x30] =	vst v15;
	v10 =	vcvt.f32.s32 v18;
	v18 =	vcvt.f32.s32 v21;
	v15 =	vadd.s32 v5, v16;
	v16 =	vld [tilespmem:s24+$0x20]  }
0x12e: {  	s25 =	simm.s32 $0x6;
	v8 =	vadd.s32 v3, v8;
	v14 =	vld.idx.msk [tilespmem:v22+s17+$0x0], $0xffff;
	v22 =	vtrunc.f32 v24  }
0x12f: {  	s26 =	simm.s32 $0x240;
	p2 =	por $0x1, $0x1;
	s23 =	simm.s32 $0x40;
	[tilespmem:s22+$0xFFFFFFD0] =	vst v23;
	v21 =	vadd.s32 v4, v10;
	v13 =	vld.idx.msk [tilespmem:v13+s17+$0x0], $0xffff;
	v18 =	vadd.s32 v3, v18;
	v10 =	vcvt.f32.s32 v22  }
.LBB2_15:
0x130: {  	v22 =	vld [tilespmem:s26+$0x0];
	s25 =	sadd.s32 $0x2, s25;
	[tilespmem:s21+$0xFFFFFFE0] =	vst v17  }
0x131: {  	v17 =	vld [tilespmem:s26+$0xFFFFFFC0];
	p3 =	slt.u32 s25, $0x7E;
	v10 =	vadd.s32 v5, v10;
	[tilespmem:s22+$0x20] =	vst v12  }
0x132: {  	v12 =	vld.idx.msk [tilespmem:v15+s17+$0x0], $0xffff;
	[tilespmem:s23+$0xFFFFFFF0] =	vst v19;
	s23 =	smov.u32 s21;
	s21 =	smov.u32 s22;
	s22 =	smov.u32 s24  }
0x133: {  	s24 =	smov.u32 s26;
	v15 =	vld [tilespmem:s26+$0xFFFFFFD0];
	[tilespmem:s22+$0x0] =	vst v14;
	v14 =	vtrunc.f32 v16  }
0x134: {  	v16 =	vld.idx.msk [tilespmem:v18+s17+$0x0], $0xffff;
	v14 =	vcvt.f32.s32 v14  }
0x135: {  	v18 =	vtrunc.f32 v22;
	[tilespmem:s22+$0xFFFFFFC0] =	vst v13;
	v13 =	vld [tilespmem:s22+$0x30]  }
0x136: {  	v17 =	vtrunc.f32 v17;
	v19 =	vld [tilespmem:s26+$0xFFFFFFE0];
	v18 =	vcvt.f32.s32 v18;
	v14 =	vadd.s32 v4, v14  }
0x137: {  	v17 =	vcvt.f32.s32 v17;
	v22 =	vld [tilespmem:s26+$0x10]  }
0x138: {  	v15 =	vtrunc.f32 v15;
	v18 =	vadd.s32 v1, v18;
	v23 =	vld.idx.msk [tilespmem:v8+s17+$0x0], $0xffff;
	[tilespmem:s21+$0x30] =	vst v12  }
0x139: {  	v24 =	vadd.s32 v1, v17;
	v8 =	vcvt.f32.s32 v15;
	v25 =	vld [tilespmem:s26+$0xFFFFFFF0]  }
0x13a: {  	[tilespmem:s22+$0x10] =	vst v16;
	v13 =	vtrunc.f32 v13;
	v17 =	vld.idx.msk [tilespmem:v6+s17+$0x0], $0xffff;
	v6 =	vmov v21  }
.Ltmp7:
0x13b: {  	v8 =	vadd.s32 v3, v8;
	v15 =	vtrunc.f32 v19;
	v12 =	vld.idx.msk [tilespmem:v14+s17+$0x0], $0xffff;
	v13 =	vcvt.f32.s32 v13;
	(pc) =	sbr.rel @p3 .LBB2_15-.Ltmp7, $4  }
0x13c: {  	v16 =	vcvt.f32.s32 v15;
	v15 =	vtrunc.f32 v22;
	v19 =	vld.idx.msk [tilespmem:v11+s17+$0x0], $0xffff;
	v11 =	vmovc v20;
	v20 =	vmov v10  }
0x13d: {  	v14 =	vld.idx.msk [tilespmem:v18+s17+$0x0], $0xffff;
	v18 =	vcvt.f32.s32 v15;
	v15 =	vadd.s32 v5, v13  }
0x13e: {  	v21 =	vadd.s32 v4, v16;
	v10 =	vtrunc.f32 v25;
	v16 =	vld [tilespmem:s26+$0x20];
	[tilespmem:s22+$0xFFFFFFD0] =	vst v23  }
0x13f: {  	s26 =	sadd.s32 $0x80, s26;
	v13 =	vld.idx.msk [tilespmem:v24+s17+$0x0], $0xffff;
	v10 =	vcvt.f32.s32 v10;
	v18 =	vadd.s32 v3, v18  }
0x140: {  	s25 =	smov.u32 s22;
	v22 =	vmovc v6;
	v23 =	vmov v11;
	s22 =	smov.u32 s24;
	v6 =	vmov v21;
	v11 =	vmov v20  }
.LBB2_17:
0x141: {  	_ =	sdelay $0x1  }
0x142: {  	[tilespmem:s22+$0x0] =	vst v14;
	v14 =	vtrunc.f32 v16;
	v16 =	vld [tilespmem:s22+$0x30]  }
0x143: {  	v14 =	vcvt.f32.s32 v14  }
0x144: {  	v18 =	vld.idx.msk [tilespmem:v18+s17+$0x0], $0xffff;
	[tilespmem:s22+$0xFFFFFFC0] =	vst v13  }
0x145: {  	v8 =	vld.idx.msk [tilespmem:v8+s17+$0x0], $0xffff;
	v14 =	vadd.s32 v4, v14;
	_ =	sdelay $0x1  }
0x146: {  	v13 =	vtrunc.f32 v16;
	v16 =	vld.idx.msk @p0 [tilespmem:v22+s17+$0x0], $0xffff;
	_ =	sdelay $0x1  }
0x147: {  	v7 =	vpsel p0, v11, v7;
	[tilespmem:s22+$0x10] =	vst v18;
	v13 =	vcvt.f32.s32 v13  }
0x148: {  	[tilespmem:s22+$0xFFFFFFD0] =	vst v8;
	v14 =	vld.idx.msk [tilespmem:v14+s17+$0x0], $0xffff  }
0x149: {  	[tilespmem:s21+$0xFFFFFFE0] =	vst @p1 v17;
	s24 =	smov.u32 @p0 s25;
	v13 =	vadd.s32 v5, v13;
	v6 =	vld.idx.msk [tilespmem:v6+s17+$0x0], $0xffff  }
0x14a: {  	[tilespmem:s25+$0x20] =	vst @p0 v12;
	v11 =	vld.idx.msk @p1 [tilespmem:v23+s17+$0x0], $0xffff;
	s20 =	smov.u32 @p0 s24;
	v8 =	vadd.s32 v5, v10;
	v9 =	vpsel p0, v16, v9  }
0x14b: {  	v10 =	vld.idx.msk @p0 [tilespmem:v15+s17+$0x0], $0xffff;
	[tilespmem:s20+$0xFFFFFFE0] =	vst @p0 v9  }
0x14c: {  	v7 =	vld.idx.msk @p0 [tilespmem:v7+s17+$0x0], $0xffff  }
0x14d: {  	[tilespmem:s22+$0x20] =	vst v14  }
0x14e: {  	[tilespmem:s22+$0xFFFFFFE0] =	vst v6;
	v9 =	vld.idx.msk [tilespmem:v13+s17+$0x0], $0xffff  }
0x14f: {  	[tilespmem:s23+$0xFFFFFFF0] =	vst @p2 v19;
	v6 =	vld.idx.msk [tilespmem:v8+s17+$0x0], $0xffff  }
0x150: {  	s21 =	smov.u32 @p1 s21;
	[tilespmem:s24+$0x30] =	vst @p0 v10;
	v8 =	vpsel p1, v11, v0  }
0x151: {  	s20 =	smov.u32 @p0 s20;
	[tilespmem:s21+$0xFFFFFFF0] =	vst @p1 v8;
	v7 =	vpsel p0, v7, v0  }
0x152: {  	[tilespmem:s20+$0xFFFFFFF0] =	vst @p0 v7  }
0x153: {  	[tilespmem:s22+$0x30] =	vst v9  }
0x154: {  	s20 =	simm.s32 $0x2070;
	[tilespmem:s22+$0xFFFFFFF0] =	vst v6  }
0x155: {  	[hbm4b:s7+s18] =	stream.strided.scatter [tilespmem:s3], [sflag:$0x1], $0x2000, s10, s18, $0x38;
	[tilespmem:$0x4880] =	vst v63  }
0x156: {  	v6 =	vld [tilespmem:s20+$0xFFFFFFD0];
	_ =	sdelay $0x4  }
0x157: {  	v6 =	vtrunc.f32 v6  }
0x158: {  	v6 =	vcvt.f32.s32 v6  }
0x159: {  	v8 =	vld [tilespmem:s20+$0xFFFFFFE0]  }
0x15a: {  	v7 =	vld [tilespmem:s20+$0xFFFFFF90];
	v6 =	vadd.s32 v1, v6  }
0x15b: {  	v9 =	vld [tilespmem:s20+$0xFFFFFFA0]  }
0x15c: {  	s21 =	simm.s32 $0x20F0;
	v10 =	vld [tilespmem:s20+$0xFFFFFFF0]  }
0x15d: {  	v11 =	vld [tilespmem:s21+$0xFFFFFFD0]  }
0x15e: {  	v12 =	vld [tilespmem:s20+$0xFFFFFFB0];
	v8 =	vtrunc.f32 v8  }
0x15f: {  	v8 =	vcvt.f32.s32 v8;
	v6 =	vld.idx.msk [tilespmem:v6+s17+$0x0], $0xffff  }
0x160: {  	v13 =	vld [tilespmem:s20+$0xFFFFFFC0]  }
0x161: {  	v14 =	vld [tilespmem:s21+$0xFFFFFF90];
	v8 =	vadd.s32 v3, v8  }
0x162: {  	v15 =	vld [tilespmem:s21+$0xFFFFFFA0];
	v7 =	vtrunc.f32 v7  }
0x163: {  	v16 =	vld [tilespmem:s21+$0xFFFFFFE0];
	v7 =	vcvt.f32.s32 v7  }
0x164: {  	v17 =	vld [tilespmem:s21+$0xFFFFFFC0];
	[tilespmem:s20+$0xFFFFFFD0] =	vst v6;
	v6 =	vtrunc.f32 v10  }
0x165: {  	v7 =	vadd.s32 v1, v7;
	v10 =	vtrunc.f32 v11;
	v11 =	vld [tilespmem:s20+$0x0];
	v6 =	vcvt.f32.s32 v6  }
0x166: {  	s22 =	simm.s32 $0x2170;
	v8 =	vld.idx.msk [tilespmem:v8+s17+$0x0], $0xffff;
	v10 =	vcvt.f32.s32 v10  }
0x167: {  	v18 =	vld [tilespmem:s22+$0xFFFFFFD0];
	v6 =	vadd.s32 v4, v6  }
0x168: {  	s23 =	simm.s32 $0x21F0;
	v19 =	vld [tilespmem:s22+$0xFFFFFF90];
	v14 =	vtrunc.f32 v14;
	v10 =	vadd.s32 v1, v10  }
0x169: {  	v21 =	vld [tilespmem:s23+$0xFFFFFFD0];
	v9 =	vtrunc.f32 v9;
	v14 =	vcvt.f32.s32 v14  }
0x16a: {  	v9 =	vcvt.f32.s32 v9;
	v7 =	vld.idx.msk [tilespmem:v7+s17+$0x0], $0xffff;
	v11 =	vtrunc.f32 v11  }
0x16b: {  	v14 =	vadd.s32 v1, v14;
	[tilespmem:s20+$0xFFFFFFE0] =	vst v8;
	v8 =	vcvt.f32.s32 v11;
	v11 =	vtrunc.f32 v16;
	v16 =	vld [tilespmem:s21+$0xFFFFFFF0]  }
0x16c: {  	v9 =	vadd.s32 v3, v9;
	v6 =	vld.idx.msk [tilespmem:v6+s17+$0x0], $0xffff  }
0x16d: {  	v11 =	vcvt.f32.s32 v11;
	v10 =	vld.idx.msk [tilespmem:v10+s17+$0x0], $0xffff  }
0x16e: {  	v60 =	vld [tilespmem:s23+$0xFFFFFF90];
	v8 =	vadd.s32 v5, v8  }
0x16f: {  	v62 =	vld [tilespmem:s23+$0xFFFFFFB0];
	v11 =	vadd.s32 v3, v11  }
0x170: {  	v14 =	vld.idx.msk [tilespmem:v14+s17+$0x0], $0xffff;
	[tilespmem:s20+$0xFFFFFF90] =	vst v7  }
0x171: {  	v15 =	vtrunc.f32 v15;
	v9 =	vld.idx.msk [tilespmem:v9+s17+$0x0], $0xffff;
	[tilespmem:s20+$0xFFFFFFF0] =	vst v6  }
0x172: {  	v15 =	vcvt.f32.s32 v15;
	[tilespmem:s21+$0xFFFFFFD0] =	vst v10;
	v10 =	vtrunc.f32 v16;
	v16 =	vld [tilespmem:s21+$0x0]  }
0x173: {  	v20 =	vld.idx.msk [tilespmem:v8+s17+$0x0], $0xffff  }
0x174: {  	v8 =	vadd.s32 v3, v15;
	v10 =	vcvt.f32.s32 v10;
	v15 =	vtrunc.f32 v18;
	v11 =	vld.idx.msk [tilespmem:v11+s17+$0x0], $0xffff  }
0x175: {  	v18 =	vtrunc.f32 v19;
	v19 =	vld [tilespmem:s22+$0xFFFFFFE0];
	v15 =	vcvt.f32.s32 v15  }
0x176: {  	v7 =	vld [tilespmem:s21+$0xFFFFFFB0];
	v18 =	vcvt.f32.s32 v18;
	v10 =	vadd.s32 v4, v10  }
0x177: {  	[tilespmem:s21+$0xFFFFFF90] =	vst v14;
	v14 =	vld [tilespmem:s22+$0xFFFFFFB0];
	v6 =	vtrunc.f32 v12;
	v15 =	vadd.s32 v1, v15  }
0x178: {  	[tilespmem:s20+$0xFFFFFFA0] =	vst v9;
	v12 =	vld [tilespmem:s22+$0xFFFFFFA0];
	v6 =	vcvt.f32.s32 v6;
	v9 =	vadd.s32 v1, v18  }
0x179: {  	v18 =	vld [tilespmem:s22+$0xFFFFFFC0];
	v16 =	vtrunc.f32 v16  }
0x17a: {  	v6 =	vadd.s32 v4, v6;
	[tilespmem:s21+$0xFFFFFFE0] =	vst v11;
	v11 =	vcvt.f32.s32 v16;
	v16 =	vtrunc.f32 v19;
	v19 =	vld [tilespmem:s22+$0xFFFFFFF0]  }
0x17b: {  	v10 =	vld.idx.msk [tilespmem:v10+s17+$0x0], $0xffff  }
0x17c: {  	v16 =	vcvt.f32.s32 v16;
	v11 =	vadd.s32 v5, v11;
	v15 =	vld.idx.msk [tilespmem:v15+s17+$0x0], $0xffff  }
0x17d: {  	v9 =	vld.idx.msk [tilespmem:v9+s17+$0x0], $0xffff  }
0x17e: {  	v7 =	vtrunc.f32 v7;
	v12 =	vtrunc.f32 v12;
	v8 =	vld.idx.msk [tilespmem:v8+s17+$0x0], $0xffff;
	v16 =	vadd.s32 v3, v16  }
0x17f: {  	v14 =	vtrunc.f32 v14;
	v12 =	vcvt.f32.s32 v12;
	v6 =	vld.idx.msk [tilespmem:v6+s17+$0x0], $0xffff  }
0x180: {  	[tilespmem:s21+$0xFFFFFFF0] =	vst v10;
	v10 =	vtrunc.f32 v13;
	v13 =	vtrunc.f32 v19;
	v19 =	vld [tilespmem:s22+$0x0]  }
0x181: {  	v7 =	vcvt.f32.s32 v7;
	v61 =	vld.idx.msk [tilespmem:v11+s17+$0x0], $0xffff;
	v11 =	vadd.s32 v3, v12;
	[tilespmem:s22+$0xFFFFFFD0] =	vst v15;
	v10 =	vcvt.f32.s32 v10  }
0x182: {  	v12 =	vld [tilespmem:s23+$0xFFFFFFA0];
	v13 =	vcvt.f32.s32 v13;
	[tilespmem:s22+$0xFFFFFF90] =	vst v9;
	v9 =	vtrunc.f32 v60  }
0x183: {  	v7 =	vadd.s32 v4, v7;
	v15 =	vld.idx.msk [tilespmem:v16+s17+$0x0], $0xffff;
	v16 =	vtrunc.f32 v17;
	v17 =	vtrunc.f32 v21  }
0x184: {  	v16 =	vcvt.f32.s32 v16;
	v17 =	vcvt.f32.s32 v17;
	v13 =	vadd.s32 v4, v13  }
0x185: {  	v63 =	vld [tilespmem:s23+$0xFFFFFFE0];
	v14 =	vcvt.f32.s32 v14;
	v9 =	vcvt.f32.s32 v9;
	v10 =	vadd.s32 v5, v10  }
0x186: {  	[tilespmem:s20+$0xFFFFFFB0] =	vst v6;
	v17 =	vadd.s32 v1, v17;
	v6 =	vadd.s32 v5, v16;
	v16 =	vtrunc.f32 v62;
	v24 =	vld.idx.msk [tilespmem:v11+s17+$0x0], $0xffff  }
0x187: {  	[tilespmem:s21+$0xFFFFFFA0] =	vst v8;
	v11 =	vtrunc.f32 v18;
	v8 =	vtrunc.f32 v12;
	v18 =	vld [tilespmem:s23+$0xFFFFFFC0]  }
0x188: {  	v25 =	vadd.s32 v1, v9;
	[tilespmem:s22+$0xFFFFFFE0] =	vst v15;
	v15 =	vcvt.f32.s32 v11;
	v11 =	vld.idx.msk [tilespmem:v7+s17+$0x0], $0xffff;
	v7 =	vtrunc.f32 v19  }
0x189: {  	v9 =	vcvt.f32.s32 v8;
	v8 =	vadd.s32 v4, v14;
	v13 =	vld.idx.msk [tilespmem:v13+s17+$0x0], $0xffff;
	v14 =	vcvt.f32.s32 v7  }
0x18a: {  	v19 =	vtrunc.f32 v63;
	v12 =	vld.idx.msk [tilespmem:v10+s17+$0x0], $0xffff;
	v10 =	vcvt.f32.s32 v16  }
0x18b: {  	[tilespmem:s20+$0x0] =	vst v20;
	v19 =	vcvt.f32.s32 v19;
	v7 =	vadd.s32 v5, v15;
	v15 =	vld.idx.msk [tilespmem:v17+s17+$0x0], $0xffff;
	v14 =	vadd.s32 v5, v14  }
0x18c: {  	[tilespmem:s21+$0x0] =	vst v61;
	v9 =	vadd.s32 v3, v9;
	v17 =	vld [tilespmem:s23+$0xFFFFFFF0];
	v18 =	vtrunc.f32 v18  }
0x18d: {  	s25 =	simm.s32 $0x2270;
	s24 =	simm.s32 $0x86;
	v16 =	vld.idx.msk [tilespmem:v25+s17+$0x0], $0xffff;
	v10 =	vadd.s32 v4, v10;
	v19 =	vadd.s32 v3, v19;
	[tilespmem:s22+$0xFFFFFFA0] =	vst v24;
	v18 =	vcvt.f32.s32 v18  }
.LBB2_18:
0x18e: {  	v20 =	vld [tilespmem:s25+$0xFFFFFFD0];
	s24 =	sadd.s32 $0x2, s24;
	[tilespmem:s21+$0xFFFFFFB0] =	vst v11  }
0x18f: {  	v11 =	vld [tilespmem:s25+$0xFFFFFF90];
	p0 =	slt.u32 s24, $0xFE;
	v18 =	vadd.s32 v5, v18;
	[tilespmem:s22+$0xFFFFFFF0] =	vst v13  }
0x190: {  	v13 =	vld.idx.msk [tilespmem:v14+s17+$0x0], $0xffff;
	[tilespmem:s20+$0xFFFFFFC0] =	vst v12;
	s20 =	smov.u32 s21;
	s21 =	smov.u32 s22;
	s22 =	smov.u32 s23  }
0x191: {  	s23 =	smov.u32 s25;
	v12 =	vld [tilespmem:s25+$0xFFFFFFA0];
	[tilespmem:s22+$0xFFFFFFD0] =	vst v15;
	v14 =	vtrunc.f32 v17  }
0x192: {  	v15 =	vld.idx.msk [tilespmem:v19+s17+$0x0], $0xffff;
	v14 =	vcvt.f32.s32 v14  }
0x193: {  	v17 =	vtrunc.f32 v20;
	[tilespmem:s22+$0xFFFFFF90] =	vst v16;
	v16 =	vld [tilespmem:s22+$0x0]  }
0x194: {  	v11 =	vtrunc.f32 v11;
	v19 =	vld [tilespmem:s25+$0xFFFFFFB0];
	v17 =	vcvt.f32.s32 v17;
	v14 =	vadd.s32 v4, v14  }
0x195: {  	v11 =	vcvt.f32.s32 v11;
	v20 =	vld [tilespmem:s25+$0xFFFFFFE0]  }
0x196: {  	v12 =	vtrunc.f32 v12;
	v17 =	vadd.s32 v1, v17;
	v21 =	vld.idx.msk [tilespmem:v9+s17+$0x0], $0xffff;
	[tilespmem:s21+$0x0] =	vst v13  }
0x197: {  	v22 =	vadd.s32 v1, v11;
	v9 =	vcvt.f32.s32 v12;
	v23 =	vld [tilespmem:s25+$0xFFFFFFC0]  }
0x198: {  	[tilespmem:s22+$0xFFFFFFE0] =	vst v15;
	v12 =	vtrunc.f32 v16;
	v11 =	vld.idx.msk [tilespmem:v8+s17+$0x0], $0xffff;
	v8 =	vmov v10  }
.Ltmp8:
0x199: {  	v9 =	vadd.s32 v3, v9;
	v10 =	vtrunc.f32 v19;
	v13 =	vld.idx.msk [tilespmem:v14+s17+$0x0], $0xffff;
	v14 =	vcvt.f32.s32 v12;
	(pc) =	sbr.rel @p0 .LBB2_18-.Ltmp8, $4  }
0x19a: {  	v10 =	vcvt.f32.s32 v10;
	v16 =	vtrunc.f32 v20;
	v12 =	vld.idx.msk [tilespmem:v6+s17+$0x0], $0xffff;
	v6 =	vmovc v7;
	v7 =	vmov v18  }
0x19b: {  	v15 =	vld.idx.msk [tilespmem:v17+s17+$0x0], $0xffff;
	v19 =	vcvt.f32.s32 v16;
	v14 =	vadd.s32 v5, v14  }
0x19c: {  	v10 =	vadd.s32 v4, v10;
	v18 =	vtrunc.f32 v23;
	v17 =	vld [tilespmem:s25+$0xFFFFFFF0];
	[tilespmem:s22+$0xFFFFFFA0] =	vst v21  }
0x19d: {  	s25 =	sadd.s32 $0x80, s25;
	v16 =	vld.idx.msk [tilespmem:v22+s17+$0x0], $0xffff;
	v18 =	vcvt.f32.s32 v18;
	v19 =	vadd.s32 v3, v19  }
0x19e: {  	_ =	sdelay $0x2  }
0x19f: {  	v58 =	vtrunc.f32 v17  }
0x1a0: {  	v59 =	vld [tilespmem:s23+$0x0];
	[tilespmem:s23+$0xFFFFFFD0] =	vst v15;
	v15 =	vcvt.f32.s32 v58  }
0x1a1: {  	v19 =	vld.idx.msk [tilespmem:v19+s17+$0x0], $0xffff;
	[tilespmem:s23+$0xFFFFFF90] =	vst v16  }
0x1a2: {  	v9 =	vld.idx.msk [tilespmem:v9+s17+$0x0], $0xffff;
	v15 =	vadd.s32 v4, v15;
	_ =	sdelay $0x2  }
0x1a3: {  	v60 =	vtrunc.f32 v59  }
0x1a4: {  	v8 =	vld.idx.msk [tilespmem:v8+s17+$0x0], $0xffff;
	v16 =	vcvt.f32.s32 v60;
	[tilespmem:s23+$0xFFFFFFE0] =	vst v19  }
0x1a5: {  	[tilespmem:s23+$0xFFFFFFA0] =	vst v9;
	v15 =	vld.idx.msk [tilespmem:v15+s17+$0x0], $0xffff  }
0x1a6: {  	v16 =	vadd.s32 v5, v16;
	v9 =	vld.idx.msk [tilespmem:v10+s17+$0x0], $0xffff  }
0x1a7: {  	[tilespmem:s22+$0xFFFFFFF0] =	vst v13;
	v61 =	vadd.s32 v5, v18  }
0x1a8: {  	[tilespmem:s21+$0xFFFFFFB0] =	vst v11;
	v62 =	vld.idx.msk [tilespmem:v14+s17+$0x0], $0xffff  }
0x1a9: {  	v6 =	vld.idx.msk [tilespmem:v6+s17+$0x0], $0xffff;
	[tilespmem:s22+$0xFFFFFFB0] =	vst v8  }
0x1aa: {  	v7 =	vld.idx.msk [tilespmem:v7+s17+$0x0], $0xffff;
	[tilespmem:s23+$0xFFFFFFF0] =	vst v15  }
0x1ab: {  	[tilespmem:s23+$0xFFFFFFB0] =	vst v9;
	v63 =	vld.idx.msk [tilespmem:v16+s17+$0x0], $0xffff  }
0x1ac: {  	[tilespmem:s20+$0xFFFFFFC0] =	vst v12;
	v9 =	vld.idx.msk [tilespmem:v61+s17+$0x0], $0xffff  }
0x1ad: {  	[tilespmem:s22+$0x0] =	vst v62  }
0x1ae: {  	[tilespmem:s21+$0xFFFFFFC0] =	vst v6  }
0x1af: {  	[tilespmem:s22+$0xFFFFFFC0] =	vst v7  }
0x1b0: {  	[tilespmem:s23+$0x0] =	vst v63  }
0x1b1: {  	s19 =	sadd.s32 $0x1, s19;
	[tilespmem:s23+$0xFFFFFFC0] =	vst v9  }
0x1b2: {  	[hbm4b:s8+s18] =	stream.strided.scatter [tilespmem:s11], [sflag:$0x2], $0x2000, s10, s18, $0x38;
	[tilespmem:$0x4880] =	vst v63  }
0x1b3: {  	p0 =	sne.s32 s19, s9;
	_ =	swait.ge [sflag:s12], $0x2000  }
.Ltmp9:
0x1b4: {  	[sflag:s12] =	ssyncset.done $0x0;
	(pc) =	sbr.rel @p0 .LBB2_1-.Ltmp9, $4  }
.Ltmp10:
0x1b5: {  	[sflag:s12] =	ssyncadd.s32 $0xFFFFE000;
	(pc) =	sbr.rel @!p0 .LBB2_20-.Ltmp10, $4  }
0x1b6: {  	_ =	swait.ge [sflag:s13], $0x2000  }
0x1b7: {  	[sflag:s13] =	ssyncset.done $0x0  }
0x1b8: {  	[sflag:s13] =	ssyncadd.s32 $0xFFFFE000  }
0x1b9: {  	_ = 	snop  }
.LBB2_8:
.Ltmp11:
0x1ba: {  	(pc) =	sbr.rel .LBB2_17-.Ltmp11, $2  }
0x1bb: {  	_ =	sdelay $0x2  }
0x1bc: {  	s22 =	simm.s32 $0x40  }
.LBB2_10:
.Ltmp12:
0x1bd: {  	(pc) =	sbr.rel .LBB2_17-.Ltmp12, $2  }
0x1be: {  	_ =	sdelay $0x2  }
0x1bf: {  	v22 =	vmov v6;
	v11 =	vmov v7;
	s25 =	simm.s32 $0x40;
	s22 =	simm.s32 $0xC0;
	v6 =	vmov v20  }
.LBB2_12:
.Ltmp13:
0x1c0: {  	(pc) =	sbr.rel .LBB2_17-.Ltmp13, $2  }
0x1c1: {  	_ =	sdelay $0x2  }
0x1c2: {  	v17 =	vmov v9;
	s21 =	simm.s32 $0x40;
	s25 =	simm.s32 $0xC0;
	v22 =	vmov v20;
	v23 =	vmov v7  }
.LBB2_14:
.Ltmp14:
0x1c3: {  	(pc) =	sbr.rel .LBB2_17-.Ltmp14, $2  }
0x1c4: {  	_ =	sdelay $0x2  }
0x1c5: {  	v22 =	vmovc v6;
	v23 =	vmov v11;
	s25 =	simm.s32 $0x140;
	s23 =	simm.s32 $0x40;
	s22 =	simm.s32 $0x1C0;
	v6 =	vmov v21;
	v11 =	vmov v20  }
.LBB2_20:
0x1c6: {  	_ =	sfence.sel $0x180000  }
0x1c7: {  	[bflag:$0x0] =	sbarrier.arrive $0xFFFF  }
0x1c8: {  	p0 =	sne.s32 s2, $0x0;
	_ =	strace $0x90000047  }
0x1c9: {  	s0 =	sadd.s32 @!p0 $0x100000, s0;
	[bflag:$0x2] =	sbarrier.arrive $0xFFFF  }
0x1ca: {  	[sflag:s0] =	ssyncadd.tile.s32 @!p0 $0x1;
	_ =	shalt  }
.Lfunc_end2:
_tile_overlayer_lowered:
.L_overlay_start_2:
0x1cb: {  	(tag) =	ssettag $0x2  }
0x1cc: {  	s0 =	rddreg [dreg:$0x0];
	s2 =	stileid.u32  }
0x1cd: {  	s1 =	rddreg [dreg:$0x1];
	p0 =	sne.s32 s2, $0x0  }
0x1ce: {  	s3 =	rddreg [dreg:$0x2];
	[bflag:$0x3] =	sbarrier.arrive $0xFFFF;
	s2 =	simm.s32 @!p0 $0x1C03  }
0x1cf: {  	[timem:s3], [sflag:s2] =	dma.local @!p0 [hbm:s0], s1  }
0x1d0: {  	s0 =	simm.s32 @!p0 $0x3  }
0x1d1: {  	_ =	swait.ge @!p0 [sflag:s0], s1  }
0x1d2: {  	s1 =	ssub.s32 @!p0 $0x0, s1;
	[sflag:s0] =	ssyncset.done @!p0 $0x0  }
0x1d3: {  	[sflag:s0] =	ssyncadd.s32 @!p0 s1  }
0x1d4: {  	[bflag:$0x3] =	sbarrier.arrive $0xFFFF  }
0x1d5: {  	_ =	shalt  }

</sc_bundles>
